<compile_context>
chip_gen: v7x
topology: tpu7x:2x2x1
jax: 0.10.2.dev20260603
libtpu: 0.0.44.dev20260713+nightly
codegen_flags: <defaults>
</compile_context>

<pallas_src>
import functools

import jax
import jax.numpy as jnp
from jax import lax
from jax.experimental import pallas as pl
from jax.experimental.pallas import tpu as pltpu
from jax.experimental.pallas import tpu_sc as plsc

_NC = 2
_NS = 16
_NW = _NC * _NS
_LANES = 16


@functools.lru_cache(maxsize=None)
def _build(b: int, t: int, d: int, vocab: int, tmax: int):
    assert d % _NW == 0
    passes = d // _NW
    assert b % (2 * _LANES) == 0
    n_vecs = b // _LANES

    mesh = plsc.VectorSubcoreMesh(core_axis_name="c", subcore_axis_name="s")

    @functools.partial(
        pl.kernel,
        mesh=mesh,
        compiler_params=pltpu.CompilerParams(
            use_tc_tiling_on_sc=True, needs_layout_passes=False),
        out_type=jax.ShapeDtypeStruct((t, d, b), jnp.float32),
        scratch_types=[
            pltpu.VMEM((vocab,), jnp.float32),
            pltpu.VMEM((tmax,), jnp.float32),
            pltpu.VMEM((b,), jnp.int32),
            pltpu.VMEM((b,), jnp.int32),
            pltpu.VMEM((b,), jnp.float32),
            pltpu.VMEM((b,), jnp.float32),
            pltpu.SemaphoreType.DMA((2,)),
            pltpu.SemaphoreType.DMA((2,)),
        ],
    )
    def emb_kernel(xt_hbm, tablet_hbm, post_hbm, out_hbm,
                   tab_v, pos_v, i0, i1, o0, o1, isem, osem):
        ibufs = [i0, i1]
        obufs = [o0, o1]
        wid = lax.axis_index("s") * _NC + lax.axis_index("c")

        def idx_desc(tt, s):
            return pltpu.make_async_copy(xt_hbm.at[tt], ibufs[s], isem.at[s])

        def compute(tt, s, c):
            pvec = plsc.load_gather(pos_v, [jnp.full((_LANES,), tt, jnp.int32)])
            ib, ob = ibufs[s], obufs[s]

            def kbody(k, _):
                sls = [pl.ds((16 * k + u) * _LANES, _LANES) for u in range(16)]
                idxs = [ib[sl] for sl in sls]
                gats = [plsc.load_gather(tab_v, [idx]) for idx in idxs]
                for sl, g in zip(sls, gats):
                    ob[sl] = g + pvec
                return 0

            lax.fori_loop(0, n_vecs // 16, kbody, 0)

        def store_desc(tt, s, c):
            return pltpu.make_async_copy(obufs[s], out_hbm.at[tt, c], osem.at[s])

        for p in range(passes):
            c = wid + _NW * p
            pltpu.sync_copy(tablet_hbm.at[c], tab_v)
            pltpu.sync_copy(post_hbm.at[c], pos_v)

            idx_desc(0, 0).start()
            idx_desc(1, 1).start()

            def tbody(i, _):
                for s in range(2):
                    tt = 2 * i + s

                    @pl.when(tt < t)
                    def _body():
                        idx_desc(tt, s).wait()

                        @pl.when(tt >= 2)
                        def _():
                            store_desc(tt - 2, s, c).wait()

                        compute(tt, s, c)
                        store_desc(tt, s, c).start()

                        @pl.when(tt + 2 < t)
                        def _():
                            idx_desc(tt + 2, s).start()

                    @pl.when(tt >= t)
                    def _drain():
                        store_desc(tt - 2, s, c).wait()
                return 0

            lax.fori_loop(0, (t + 2) // 2, tbody, 0)

    return emb_kernel


def kernel(x, emb_table, pos_table):
    b, t = x.shape
    vocab, d = emb_table.shape
    tmax = pos_table.shape[0]
    xi = x if x.dtype == jnp.int32 else x.astype(jnp.int32)
    out_t = _build(b, t, d, vocab, tmax)(xi.T, emb_table.T, pos_table.T)
    return out_t.transpose(2, 0, 1)

# --- scband reference (transcript-rebuilt; emitter-appended) ---
"""Pipeline reference for scband-vanilla-gpt-30202210025943 (READ-ONLY COPY).

The authoritative reference and input builder live on the scoring server;
editing this copy changes nothing except your own understanding.
"""

import jax, jax.numpy as jnp
import numpy as np

VOCAB = 100000
EMBED_DIM = 64
MAX_LEN = 256
B = 4096
T = 200

def setup_inputs(seed: int = 0) -> dict:
    key = jax.random.key(seed)
    k1, k2, k3 = jax.random.split(key, 3)
    x = jax.random.randint(k1, (B, T), 0, VOCAB, dtype=jnp.int64 if jax.config.jax_enable_x64 else jnp.int32)
    emb_table = jax.random.normal(k2, (VOCAB, EMBED_DIM), dtype=jnp.float32)
    pos_table = jax.random.normal(k3, (MAX_LEN, EMBED_DIM), dtype=jnp.float32)
    return {"x": x, "emb_table": emb_table, "pos_table": pos_table}

def reference(x, emb_table, pos_table):
    # token embedding lookup: gather rows of emb_table
    tok = jnp.take(emb_table, x, axis=0)            # [B, T, D]
    # positional embedding lookup: gather rows 0..T-1
    pos = jnp.take(pos_table, jnp.arange(x.shape[1]), axis=0)  # [T, D]
    return tok + pos[None, :, :]

if __name__ == "__main__":
    import jax
    _d = setup_inputs()
    print(jax.jit(kernel)(*tuple(_d.values())))

</pallas_src>

<mosaic_0001>
#map = affine_map<(d0, d1) -> (0, 0)>
#map1 = affine_map<(d0, d1) -> (0, 0, 0)>
module attributes {stable_mosaic.version = 14 : i64} {
  func.func @emb_kernel(%arg0: i32, %arg1: i32, %arg2: memref<200x4096xi32, #tpu.memory_space<hbm>>, %arg3: memref<64x100000xf32, #tpu.memory_space<hbm>>, %arg4: memref<64x256xf32, #tpu.memory_space<hbm>>, %arg5: memref<200x64x4096xf32, #tpu.memory_space<hbm>>, %arg6: memref<100000xf32, #tpu.memory_space<vmem>>, %arg7: memref<256xf32, #tpu.memory_space<vmem>>, %arg8: memref<4096xi32, #tpu.memory_space<vmem>>, %arg9: memref<4096xi32, #tpu.memory_space<vmem>>, %arg10: memref<4096xf32, #tpu.memory_space<vmem>>, %arg11: memref<4096xf32, #tpu.memory_space<vmem>>, %arg12: memref<2x!tpu.dma_semaphore, #tpu.memory_space<semaphore_mem>>, %arg13: memref<2x!tpu.dma_semaphore, #tpu.memory_space<semaphore_mem>>) attributes {dimension_semantics = [#tpu.dimension_semantics<core_parallel>, #tpu.dimension_semantics<subcore_parallel>], iteration_bounds = array<i64: 2, 16>, scalar_prefetch = 0 : i64, scratch_operands = 8 : i64, tpu.core_type = #tpu.core_type<sc_vector_subcore>, window_params = [{transform_indices = #map}, {transform_indices = #map}, {transform_indices = #map}, {transform_indices = #map1}]} {
    %mul3A = arith.constant 2 : i32
    %mul3A_0 = arith.muli %arg1, %mul3A : i32
    %add3A = arith.addi %mul3A_0, %arg0 : i32
    %add3A_1 = arith.constant 0 : i32
    %add3A_2 = arith.addi %add3A, %add3A_1 : i32
    "tpu.region"() ({
      %run_scoped3A = tpu.sem_alloc : memref<!tpu.dma_semaphore, #tpu.memory_space<semaphore_mem>>
      %dma_start3A_57 = arith.constant 0 : i32
      %dma_start3A_58 = tpu.memref_slice %arg3[%add3A_2, %dma_start3A_57] : memref<64x100000xf32, #tpu.memory_space<hbm>> -> memref<1x100000xf32, #tpu.memory_space<hbm>>
      %dma_start3A_59 = tpu.memref_squeeze %dma_start3A_58 : memref<1x100000xf32, #tpu.memory_space<hbm>> -> memref<100000xf32, #tpu.memory_space<hbm>>
      %dma_start3A_60 = arith.constant 0 : i32
      %dma_start3A_61 = tpu.memref_slice %arg3[%add3A_2, %dma_start3A_60] : memref<64x100000xf32, #tpu.memory_space<hbm>> -> memref<1x100000xf32, #tpu.memory_space<hbm>>
      %dma_start3A_62 = tpu.memref_squeeze %dma_start3A_61 : memref<1x100000xf32, #tpu.memory_space<hbm>> -> memref<100000xf32, #tpu.memory_space<hbm>>
      tpu.enqueue_dma source(%dma_start3A_62 : memref<100000xf32, #tpu.memory_space<hbm>>) target(%arg6 : memref<100000xf32, #tpu.memory_space<vmem>>) target_semaphore(%run_scoped3A : memref<!tpu.dma_semaphore, #tpu.memory_space<semaphore_mem>>)
      %dma_wait3A = arith.constant 0 : i32
      %dma_wait3A_63 = tpu.memref_slice %arg3[%add3A_2, %dma_wait3A] : memref<64x100000xf32, #tpu.memory_space<hbm>> -> memref<1x100000xf32, #tpu.memory_space<hbm>>
      %dma_wait3A_64 = tpu.memref_squeeze %dma_wait3A_63 : memref<1x100000xf32, #tpu.memory_space<hbm>> -> memref<100000xf32, #tpu.memory_space<hbm>>
      %dma_wait3A_65 = arith.constant 0 : i32
      %dma_wait3A_66 = tpu.memref_slice %arg3[%add3A_2, %dma_wait3A_65] : memref<64x100000xf32, #tpu.memory_space<hbm>> -> memref<1x100000xf32, #tpu.memory_space<hbm>>
      %dma_wait3A_67 = tpu.memref_squeeze %dma_wait3A_66 : memref<1x100000xf32, #tpu.memory_space<hbm>> -> memref<100000xf32, #tpu.memory_space<hbm>>
      tpu.wait_dma2 semaphore(%run_scoped3A : memref<!tpu.dma_semaphore, #tpu.memory_space<semaphore_mem>>) src(%dma_wait3A_67 : memref<100000xf32, #tpu.memory_space<hbm>>) dst(%arg6 : memref<100000xf32, #tpu.memory_space<vmem>>)
      tpu.yield
    }) : () -> ()
    "tpu.region"() ({
      %run_scoped3A = tpu.sem_alloc : memref<!tpu.dma_semaphore, #tpu.memory_space<semaphore_mem>>
      %dma_start3A_57 = arith.constant 0 : i32
      %dma_start3A_58 = tpu.memref_slice %arg4[%add3A_2, %dma_start3A_57] : memref<64x256xf32, #tpu.memory_space<hbm>> -> memref<1x256xf32, #tpu.memory_space<hbm>>
      %dma_start3A_59 = tpu.memref_squeeze %dma_start3A_58 : memref<1x256xf32, #tpu.memory_space<hbm>> -> memref<256xf32, #tpu.memory_space<hbm>>
      %dma_start3A_60 = arith.constant 0 : i32
      %dma_start3A_61 = tpu.memref_slice %arg4[%add3A_2, %dma_start3A_60] : memref<64x256xf32, #tpu.memory_space<hbm>> -> memref<1x256xf32, #tpu.memory_space<hbm>>
      %dma_start3A_62 = tpu.memref_squeeze %dma_start3A_61 : memref<1x256xf32, #tpu.memory_space<hbm>> -> memref<256xf32, #tpu.memory_space<hbm>>
      tpu.enqueue_dma source(%dma_start3A_62 : memref<256xf32, #tpu.memory_space<hbm>>) target(%arg7 : memref<256xf32, #tpu.memory_space<vmem>>) target_semaphore(%run_scoped3A : memref<!tpu.dma_semaphore, #tpu.memory_space<semaphore_mem>>)
      %dma_wait3A = arith.constant 0 : i32
      %dma_wait3A_63 = tpu.memref_slice %arg4[%add3A_2, %dma_wait3A] : memref<64x256xf32, #tpu.memory_space<hbm>> -> memref<1x256xf32, #tpu.memory_space<hbm>>
      %dma_wait3A_64 = tpu.memref_squeeze %dma_wait3A_63 : memref<1x256xf32, #tpu.memory_space<hbm>> -> memref<256xf32, #tpu.memory_space<hbm>>
      %dma_wait3A_65 = arith.constant 0 : i32
      %dma_wait3A_66 = tpu.memref_slice %arg4[%add3A_2, %dma_wait3A_65] : memref<64x256xf32, #tpu.memory_space<hbm>> -> memref<1x256xf32, #tpu.memory_space<hbm>>
      %dma_wait3A_67 = tpu.memref_squeeze %dma_wait3A_66 : memref<1x256xf32, #tpu.memory_space<hbm>> -> memref<256xf32, #tpu.memory_space<hbm>>
      tpu.wait_dma2 semaphore(%run_scoped3A : memref<!tpu.dma_semaphore, #tpu.memory_space<semaphore_mem>>) src(%dma_wait3A_67 : memref<256xf32, #tpu.memory_space<hbm>>) dst(%arg7 : memref<256xf32, #tpu.memory_space<vmem>>)
      tpu.yield
    }) : () -> ()
    %dma_start3A = arith.constant 0 : i32
    %dma_start3A_3 = arith.constant 0 : i32
    %dma_start3A_4 = arith.constant 0 : i32
    %dma_start3A_5 = tpu.memref_slice %arg2[%dma_start3A, %dma_start3A_4] : memref<200x4096xi32, #tpu.memory_space<hbm>> -> memref<1x4096xi32, #tpu.memory_space<hbm>>
    %dma_start3A_6 = tpu.memref_squeeze %dma_start3A_5 : memref<1x4096xi32, #tpu.memory_space<hbm>> -> memref<4096xi32, #tpu.memory_space<hbm>>
    %dma_start3A_7 = tpu.memref_slice %arg12[%dma_start3A_3] : memref<2x!tpu.dma_semaphore, #tpu.memory_space<semaphore_mem>> -> memref<1x!tpu.dma_semaphore, #tpu.memory_space<semaphore_mem>>
    %dma_start3A_8 = tpu.memref_squeeze %dma_start3A_7 : memref<1x!tpu.dma_semaphore, #tpu.memory_space<semaphore_mem>> -> memref<!tpu.dma_semaphore, #tpu.memory_space<semaphore_mem>>
    %dma_start3A_9 = arith.constant 0 : i32
    %dma_start3A_10 = tpu.memref_slice %arg2[%dma_start3A, %dma_start3A_9] : memref<200x4096xi32, #tpu.memory_space<hbm>> -> memref<1x4096xi32, #tpu.memory_space<hbm>>
    %dma_start3A_11 = tpu.memref_squeeze %dma_start3A_10 : memref<1x4096xi32, #tpu.memory_space<hbm>> -> memref<4096xi32, #tpu.memory_space<hbm>>
    tpu.enqueue_dma source(%dma_start3A_11 : memref<4096xi32, #tpu.memory_space<hbm>>) target(%arg8 : memref<4096xi32, #tpu.memory_space<vmem>>) target_semaphore(%dma_start3A_8 : memref<!tpu.dma_semaphore, #tpu.memory_space<semaphore_mem>>)
    %dma_start3A_12 = arith.constant 1 : i32
    %dma_start3A_13 = arith.constant 1 : i32
    %dma_start3A_14 = arith.constant 0 : i32
    %dma_start3A_15 = tpu.memref_slice %arg2[%dma_start3A_12, %dma_start3A_14] : memref<200x4096xi32, #tpu.memory_space<hbm>> -> memref<1x4096xi32, #tpu.memory_space<hbm>>
    %dma_start3A_16 = tpu.memref_squeeze %dma_start3A_15 : memref<1x4096xi32, #tpu.memory_space<hbm>> -> memref<4096xi32, #tpu.memory_space<hbm>>
    %dma_start3A_17 = tpu.memref_slice %arg12[%dma_start3A_13] : memref<2x!tpu.dma_semaphore, #tpu.memory_space<semaphore_mem>> -> memref<1x!tpu.dma_semaphore, #tpu.memory_space<semaphore_mem>>
    %dma_start3A_18 = tpu.memref_squeeze %dma_start3A_17 : memref<1x!tpu.dma_semaphore, #tpu.memory_space<semaphore_mem>> -> memref<!tpu.dma_semaphore, #tpu.memory_space<semaphore_mem>>
    %dma_start3A_19 = arith.constant 0 : i32
    %dma_start3A_20 = tpu.memref_slice %arg2[%dma_start3A_12, %dma_start3A_19] : memref<200x4096xi32, #tpu.memory_space<hbm>> -> memref<1x4096xi32, #tpu.memory_space<hbm>>
    %dma_start3A_21 = tpu.memref_squeeze %dma_start3A_20 : memref<1x4096xi32, #tpu.memory_space<hbm>> -> memref<4096xi32, #tpu.memory_space<hbm>>
    tpu.enqueue_dma source(%dma_start3A_21 : memref<4096xi32, #tpu.memory_space<hbm>>) target(%arg9 : memref<4096xi32, #tpu.memory_space<vmem>>) target_semaphore(%dma_start3A_18 : memref<!tpu.dma_semaphore, #tpu.memory_space<semaphore_mem>>)
    %scan3A = arith.constant 0 : i32
    %scan3A_22 = arith.constant 0 : i32
    %scan3A_23 = arith.constant 101 : i32
    %scan3A_24 = arith.addi %scan3A_22, %scan3A_23 : i32
    %scan3A_25 = arith.constant 1 : i32
    %scan3A_26 = scf.for %scan3A_57 = %scan3A_22 to %scan3A_24 step %scan3A_25 iter_args(%scan3A_58 = %scan3A) -> (i32)  : i32 {
      %mul3A_59 = arith.constant 2 : i32
      %mul3A_60 = arith.muli %mul3A_59, %scan3A_57 : i32
      %add3A_61 = arith.constant 0 : i32
      %add3A_62 = arith.addi %mul3A_60, %add3A_61 : i32
      %lt3A = arith.constant 200 : i32
      %lt3A_63 = arith.cmpi slt, %add3A_62, %lt3A : i32
      %convert_element_type3A = arith.extui %lt3A_63 : i1 to i32
      %cond3A = arith.constant 0 : i32
      %cond3A_64 = arith.cmpi ne, %convert_element_type3A, %cond3A : i32
      scf.if %cond3A_64 {
        %dma_wait3A = arith.constant 0 : i32
        %dma_wait3A_84 = arith.constant 0 : i32
        %dma_wait3A_85 = tpu.memref_slice %arg2[%add3A_62, %dma_wait3A_84] : memref<200x4096xi32, #tpu.memory_space<hbm>> -> memref<1x4096xi32, #tpu.memory_space<hbm>>
        %dma_wait3A_86 = tpu.memref_squeeze %dma_wait3A_85 : memref<1x4096xi32, #tpu.memory_space<hbm>> -> memref<4096xi32, #tpu.memory_space<hbm>>
        %dma_wait3A_87 = tpu.memref_slice %arg12[%dma_wait3A] : memref<2x!tpu.dma_semaphore, #tpu.memory_space<semaphore_mem>> -> memref<1x!tpu.dma_semaphore, #tpu.memory_space<semaphore_mem>>
        %dma_wait3A_88 = tpu.memref_squeeze %dma_wait3A_87 : memref<1x!tpu.dma_semaphore, #tpu.memory_space<semaphore_mem>> -> memref<!tpu.dma_semaphore, #tpu.memory_space<semaphore_mem>>
        %dma_wait3A_89 = arith.constant 0 : i32
        %dma_wait3A_90 = tpu.memref_slice %arg2[%add3A_62, %dma_wait3A_89] : memref<200x4096xi32, #tpu.memory_space<hbm>> -> memref<1x4096xi32, #tpu.memory_space<hbm>>
        %dma_wait3A_91 = tpu.memref_squeeze %dma_wait3A_90 : memref<1x4096xi32, #tpu.memory_space<hbm>> -> memref<4096xi32, #tpu.memory_space<hbm>>
        tpu.wait_dma2 semaphore(%dma_wait3A_88 : memref<!tpu.dma_semaphore, #tpu.memory_space<semaphore_mem>>) src(%dma_wait3A_91 : memref<4096xi32, #tpu.memory_space<hbm>>) dst(%arg8 : memref<4096xi32, #tpu.memory_space<vmem>>)
        %ge3A_92 = arith.constant 2 : i32
        %ge3A_93 = arith.cmpi sge, %add3A_62, %ge3A_92 : i32
        %convert_element_type3A_94 = arith.extui %ge3A_93 : i1 to i32
        %cond3A_95 = arith.constant 0 : i32
        %cond3A_96 = arith.cmpi ne, %convert_element_type3A_94, %cond3A_95 : i32
        scf.if %cond3A_96 {
          %sub3A = arith.constant 2 : i32
          %sub3A_120 = arith.subi %add3A_62, %sub3A : i32
          %dma_wait3A_121 = arith.constant 0 : i32
          %dma_wait3A_122 = arith.constant 0 : i32
          %dma_wait3A_123 = tpu.memref_slice %arg5[%sub3A_120, %add3A_2, %dma_wait3A_122] : memref<200x64x4096xf32, #tpu.memory_space<hbm>> -> memref<1x1x4096xf32, #tpu.memory_space<hbm>>
          %dma_wait3A_124 = tpu.memref_squeeze %dma_wait3A_123 : memref<1x1x4096xf32, #tpu.memory_space<hbm>> -> memref<4096xf32, #tpu.memory_space<hbm>>
          %dma_wait3A_125 = tpu.memref_slice %arg13[%dma_wait3A_121] : memref<2x!tpu.dma_semaphore, #tpu.memory_space<semaphore_mem>> -> memref<1x!tpu.dma_semaphore, #tpu.memory_space<semaphore_mem>>
          %dma_wait3A_126 = tpu.memref_squeeze %dma_wait3A_125 : memref<1x!tpu.dma_semaphore, #tpu.memory_space<semaphore_mem>> -> memref<!tpu.dma_semaphore, #tpu.memory_space<semaphore_mem>>
          %dma_wait3A_127 = arith.constant 0 : i32
          %dma_wait3A_128 = tpu.memref_slice %arg5[%sub3A_120, %add3A_2, %dma_wait3A_127] : memref<200x64x4096xf32, #tpu.memory_space<hbm>> -> memref<1x1x4096xf32, #tpu.memory_space<hbm>>
          %dma_wait3A_129 = tpu.memref_squeeze %dma_wait3A_128 : memref<1x1x4096xf32, #tpu.memory_space<hbm>> -> memref<4096xf32, #tpu.memory_space<hbm>>
          tpu.wait_dma2 semaphore(%dma_wait3A_126 : memref<!tpu.dma_semaphore, #tpu.memory_space<semaphore_mem>>) src(%arg10 : memref<4096xf32, #tpu.memory_space<vmem>>) dst(%dma_wait3A_129 : memref<4096xf32, #tpu.memory_space<hbm>>)
        } else {
        }
        %broadcast_in_dim3A = vector.broadcast %add3A_62 : i32 to vector<16xi32>
        %gather3A = tpu.vector_load_idx %arg7[%broadcast_in_dim3A] : memref<256xf32, #tpu.memory_space<vmem>>[vector<16xi32>], vector<16xf32>,
        %scan3A_97 = arith.constant 0 : i32
        %scan3A_98 = arith.constant 0 : i32
        %scan3A_99 = arith.constant 16 : i32
        %scan3A_100 = arith.addi %scan3A_98, %scan3A_99 : i32
        %scan3A_101 = arith.constant 1 : i32
        %scan3A_102 = scf.for %scan3A_120 = %scan3A_98 to %scan3A_100 step %scan3A_101 iter_args(%scan3A_121 = %scan3A_97) -> (i32)  : i32 {
          %mul3A_122 = arith.constant 16 : i32
          %mul3A_123 = arith.muli %mul3A_122, %scan3A_120 : i32
          %add3A_124 = arith.constant 0 : i32
          %add3A_125 = arith.addi %mul3A_123, %add3A_124 : i32
          %mul3A_126 = arith.constant 16 : i32
          %mul3A_127 = arith.muli %add3A_125, %mul3A_126 : i32
          %mul3A_128 = arith.constant 16 : i32
          %mul3A_129 = arith.muli %mul3A_128, %scan3A_120 : i32
          %add3A_130 = arith.constant 1 : i32
          %add3A_131 = arith.addi %mul3A_129, %add3A_130 : i32
          %mul3A_132 = arith.constant 16 : i32
          %mul3A_133 = arith.muli %add3A_131, %mul3A_132 : i32
          %mul3A_134 = arith.constant 16 : i32
          %mul3A_135 = arith.muli %mul3A_134, %scan3A_120 : i32
          %add3A_136 = arith.constant 2 : i32
          %add3A_137 = arith.addi %mul3A_135, %add3A_136 : i32
          %mul3A_138 = arith.constant 16 : i32
          %mul3A_139 = arith.muli %add3A_137, %mul3A_138 : i32
          %mul3A_140 = arith.constant 16 : i32
          %mul3A_141 = arith.muli %mul3A_140, %scan3A_120 : i32
          %add3A_142 = arith.constant 3 : i32
          %add3A_143 = arith.addi %mul3A_141, %add3A_142 : i32
          %mul3A_144 = arith.constant 16 : i32
          %mul3A_145 = arith.muli %add3A_143, %mul3A_144 : i32
          %mul3A_146 = arith.constant 16 : i32
          %mul3A_147 = arith.muli %mul3A_146, %scan3A_120 : i32
          %add3A_148 = arith.constant 4 : i32
          %add3A_149 = arith.addi %mul3A_147, %add3A_148 : i32
          %mul3A_150 = arith.constant 16 : i32
          %mul3A_151 = arith.muli %add3A_149, %mul3A_150 : i32
          %mul3A_152 = arith.constant 16 : i32
          %mul3A_153 = arith.muli %mul3A_152, %scan3A_120 : i32
          %add3A_154 = arith.constant 5 : i32
          %add3A_155 = arith.addi %mul3A_153, %add3A_154 : i32
          %mul3A_156 = arith.constant 16 : i32
          %mul3A_157 = arith.muli %add3A_155, %mul3A_156 : i32
          %mul3A_158 = arith.constant 16 : i32
          %mul3A_159 = arith.muli %mul3A_158, %scan3A_120 : i32
          %add3A_160 = arith.constant 6 : i32
          %add3A_161 = arith.addi %mul3A_159, %add3A_160 : i32
          %mul3A_162 = arith.constant 16 : i32
          %mul3A_163 = arith.muli %add3A_161, %mul3A_162 : i32
          %mul3A_164 = arith.constant 16 : i32
          %mul3A_165 = arith.muli %mul3A_164, %scan3A_120 : i32
          %add3A_166 = arith.constant 7 : i32
          %add3A_167 = arith.addi %mul3A_165, %add3A_166 : i32
          %mul3A_168 = arith.constant 16 : i32
          %mul3A_169 = arith.muli %add3A_167, %mul3A_168 : i32
          %mul3A_170 = arith.constant 16 : i32
          %mul3A_171 = arith.muli %mul3A_170, %scan3A_120 : i32
          %add3A_172 = arith.constant 8 : i32
          %add3A_173 = arith.addi %mul3A_171, %add3A_172 : i32
          %mul3A_174 = arith.constant 16 : i32
          %mul3A_175 = arith.muli %add3A_173, %mul3A_174 : i32
          %mul3A_176 = arith.constant 16 : i32
          %mul3A_177 = arith.muli %mul3A_176, %scan3A_120 : i32
          %add3A_178 = arith.constant 9 : i32
          %add3A_179 = arith.addi %mul3A_177, %add3A_178 : i32
          %mul3A_180 = arith.constant 16 : i32
          %mul3A_181 = arith.muli %add3A_179, %mul3A_180 : i32
          %mul3A_182 = arith.constant 16 : i32
          %mul3A_183 = arith.muli %mul3A_182, %scan3A_120 : i32
          %add3A_184 = arith.constant 10 : i32
          %add3A_185 = arith.addi %mul3A_183, %add3A_184 : i32
          %mul3A_186 = arith.constant 16 : i32
          %mul3A_187 = arith.muli %add3A_185, %mul3A_186 : i32
          %mul3A_188 = arith.constant 16 : i32
          %mul3A_189 = arith.muli %mul3A_188, %scan3A_120 : i32
          %add3A_190 = arith.constant 11 : i32
          %add3A_191 = arith.addi %mul3A_189, %add3A_190 : i32
          %mul3A_192 = arith.constant 16 : i32
          %mul3A_193 = arith.muli %add3A_191, %mul3A_192 : i32
          %mul3A_194 = arith.constant 16 : i32
          %mul3A_195 = arith.muli %mul3A_194, %scan3A_120 : i32
          %add3A_196 = arith.constant 12 : i32
          %add3A_197 = arith.addi %mul3A_195, %add3A_196 : i32
          %mul3A_198 = arith.constant 16 : i32
          %mul3A_199 = arith.muli %add3A_197, %mul3A_198 : i32
          %mul3A_200 = arith.constant 16 : i32
          %mul3A_201 = arith.muli %mul3A_200, %scan3A_120 : i32
          %add3A_202 = arith.constant 13 : i32
          %add3A_203 = arith.addi %mul3A_201, %add3A_202 : i32
          %mul3A_204 = arith.constant 16 : i32
          %mul3A_205 = arith.muli %add3A_203, %mul3A_204 : i32
          %mul3A_206 = arith.constant 16 : i32
          %mul3A_207 = arith.muli %mul3A_206, %scan3A_120 : i32
          %add3A_208 = arith.constant 14 : i32
          %add3A_209 = arith.addi %mul3A_207, %add3A_208 : i32
          %mul3A_210 = arith.constant 16 : i32
          %mul3A_211 = arith.muli %add3A_209, %mul3A_210 : i32
          %mul3A_212 = arith.constant 16 : i32
          %mul3A_213 = arith.muli %mul3A_212, %scan3A_120 : i32
          %add3A_214 = arith.constant 15 : i32
          %add3A_215 = arith.addi %mul3A_213, %add3A_214 : i32
          %mul3A_216 = arith.constant 16 : i32
          %mul3A_217 = arith.muli %add3A_215, %mul3A_216 : i32
          %get3A = arith.index_cast %mul3A_127 : i32 to index
          %get3A_218 = tpu.vector_load %arg8[%get3A] {strides = array<i32>} : memref<4096xi32, #tpu.memory_space<vmem>>, vector<16xi32>,
          %get3A_219 = arith.index_cast %mul3A_133 : i32 to index
          %get3A_220 = tpu.vector_load %arg8[%get3A_219] {strides = array<i32>} : memref<4096xi32, #tpu.memory_space<vmem>>, vector<16xi32>,
          %get3A_221 = arith.index_cast %mul3A_139 : i32 to index
          %get3A_222 = tpu.vector_load %arg8[%get3A_221] {strides = array<i32>} : memref<4096xi32, #tpu.memory_space<vmem>>, vector<16xi32>,
          %get3A_223 = arith.index_cast %mul3A_145 : i32 to index
          %get3A_224 = tpu.vector_load %arg8[%get3A_223] {strides = array<i32>} : memref<4096xi32, #tpu.memory_space<vmem>>, vector<16xi32>,
          %get3A_225 = arith.index_cast %mul3A_151 : i32 to index
          %get3A_226 = tpu.vector_load %arg8[%get3A_225] {strides = array<i32>} : memref<4096xi32, #tpu.memory_space<vmem>>, vector<16xi32>,
          %get3A_227 = arith.index_cast %mul3A_157 : i32 to index
          %get3A_228 = tpu.vector_load %arg8[%get3A_227] {strides = array<i32>} : memref<4096xi32, #tpu.memory_space<vmem>>, vector<16xi32>,
          %get3A_229 = arith.index_cast %mul3A_163 : i32 to index
          %get3A_230 = tpu.vector_load %arg8[%get3A_229] {strides = array<i32>} : memref<4096xi32, #tpu.memory_space<vmem>>, vector<16xi32>,
          %get3A_231 = arith.index_cast %mul3A_169 : i32 to index
          %get3A_232 = tpu.vector_load %arg8[%get3A_231] {strides = array<i32>} : memref<4096xi32, #tpu.memory_space<vmem>>, vector<16xi32>,
          %get3A_233 = arith.index_cast %mul3A_175 : i32 to index
          %get3A_234 = tpu.vector_load %arg8[%get3A_233] {strides = array<i32>} : memref<4096xi32, #tpu.memory_space<vmem>>, vector<16xi32>,
          %get3A_235 = arith.index_cast %mul3A_181 : i32 to index
          %get3A_236 = tpu.vector_load %arg8[%get3A_235] {strides = array<i32>} : memref<4096xi32, #tpu.memory_space<vmem>>, vector<16xi32>,
          %get3A_237 = arith.index_cast %mul3A_187 : i32 to index
          %get3A_238 = tpu.vector_load %arg8[%get3A_237] {strides = array<i32>} : memref<4096xi32, #tpu.memory_space<vmem>>, vector<16xi32>,
          %get3A_239 = arith.index_cast %mul3A_193 : i32 to index
          %get3A_240 = tpu.vector_load %arg8[%get3A_239] {strides = array<i32>} : memref<4096xi32, #tpu.memory_space<vmem>>, vector<16xi32>,
          %get3A_241 = arith.index_cast %mul3A_199 : i32 to index
          %get3A_242 = tpu.vector_load %arg8[%get3A_241] {strides = array<i32>} : memref<4096xi32, #tpu.memory_space<vmem>>, vector<16xi32>,
          %get3A_243 = arith.index_cast %mul3A_205 : i32 to index
          %get3A_244 = tpu.vector_load %arg8[%get3A_243] {strides = array<i32>} : memref<4096xi32, #tpu.memory_space<vmem>>, vector<16xi32>,
          %get3A_245 = arith.index_cast %mul3A_211 : i32 to index
          %get3A_246 = tpu.vector_load %arg8[%get3A_245] {strides = array<i32>} : memref<4096xi32, #tpu.memory_space<vmem>>, vector<16xi32>,
          %get3A_247 = arith.index_cast %mul3A_217 : i32 to index
          %get3A_248 = tpu.vector_load %arg8[%get3A_247] {strides = array<i32>} : memref<4096xi32, #tpu.memory_space<vmem>>, vector<16xi32>,
          %gather3A_249 = tpu.vector_load_idx %arg6[%get3A_218] : memref<100000xf32, #tpu.memory_space<vmem>>[vector<16xi32>], vector<16xf32>,
          %gather3A_250 = tpu.vector_load_idx %arg6[%get3A_220] : memref<100000xf32, #tpu.memory_space<vmem>>[vector<16xi32>], vector<16xf32>,
          %gather3A_251 = tpu.vector_load_idx %arg6[%get3A_222] : memref<100000xf32, #tpu.memory_space<vmem>>[vector<16xi32>], vector<16xf32>,
          %gather3A_252 = tpu.vector_load_idx %arg6[%get3A_224] : memref<100000xf32, #tpu.memory_space<vmem>>[vector<16xi32>], vector<16xf32>,
          %gather3A_253 = tpu.vector_load_idx %arg6[%get3A_226] : memref<100000xf32, #tpu.memory_space<vmem>>[vector<16xi32>], vector<16xf32>,
          %gather3A_254 = tpu.vector_load_idx %arg6[%get3A_228] : memref<100000xf32, #tpu.memory_space<vmem>>[vector<16xi32>], vector<16xf32>,
          %gather3A_255 = tpu.vector_load_idx %arg6[%get3A_230] : memref<100000xf32, #tpu.memory_space<vmem>>[vector<16xi32>], vector<16xf32>,
          %gather3A_256 = tpu.vector_load_idx %arg6[%get3A_232] : memref<100000xf32, #tpu.memory_space<vmem>>[vector<16xi32>], vector<16xf32>,
          %gather3A_257 = tpu.vector_load_idx %arg6[%get3A_234] : memref<100000xf32, #tpu.memory_space<vmem>>[vector<16xi32>], vector<16xf32>,
          %gather3A_258 = tpu.vector_load_idx %arg6[%get3A_236] : memref<100000xf32, #tpu.memory_space<vmem>>[vector<16xi32>], vector<16xf32>,
          %gather3A_259 = tpu.vector_load_idx %arg6[%get3A_238] : memref<100000xf32, #tpu.memory_space<vmem>>[vector<16xi32>], vector<16xf32>,
          %gather3A_260 = tpu.vector_load_idx %arg6[%get3A_240] : memref<100000xf32, #tpu.memory_space<vmem>>[vector<16xi32>], vector<16xf32>,
          %gather3A_261 = tpu.vector_load_idx %arg6[%get3A_242] : memref<100000xf32, #tpu.memory_space<vmem>>[vector<16xi32>], vector<16xf32>,
          %gather3A_262 = tpu.vector_load_idx %arg6[%get3A_244] : memref<100000xf32, #tpu.memory_space<vmem>>[vector<16xi32>], vector<16xf32>,
          %gather3A_263 = tpu.vector_load_idx %arg6[%get3A_246] : memref<100000xf32, #tpu.memory_space<vmem>>[vector<16xi32>], vector<16xf32>,
          %gather3A_264 = tpu.vector_load_idx %arg6[%get3A_248] : memref<100000xf32, #tpu.memory_space<vmem>>[vector<16xi32>], vector<16xf32>,
          %add3A_265 = arith.addf %gather3A_249, %gather3A : vector<16xf32>
          %swap3A = arith.index_cast %mul3A_127 : i32 to index
          %swap3A_266 = tpu.vector_load %arg10[%swap3A] {strides = array<i32>} : memref<4096xf32, #tpu.memory_space<vmem>>, vector<16xf32>,
          tpu.vector_store %arg10[%swap3A], %add3A_265 {strides = array<i32>} : memref<4096xf32, #tpu.memory_space<vmem>>, vector<16xf32>,
          %add3A_267 = arith.addf %gather3A_250, %gather3A : vector<16xf32>
          %swap3A_268 = arith.index_cast %mul3A_133 : i32 to index
          %swap3A_269 = tpu.vector_load %arg10[%swap3A_268] {strides = array<i32>} : memref<4096xf32, #tpu.memory_space<vmem>>, vector<16xf32>,
          tpu.vector_store %arg10[%swap3A_268], %add3A_267 {strides = array<i32>} : memref<4096xf32, #tpu.memory_space<vmem>>, vector<16xf32>,
          %add3A_270 = arith.addf %gather3A_251, %gather3A : vector<16xf32>
          %swap3A_271 = arith.index_cast %mul3A_139 : i32 to index
          %swap3A_272 = tpu.vector_load %arg10[%swap3A_271] {strides = array<i32>} : memref<4096xf32, #tpu.memory_space<vmem>>, vector<16xf32>,
          tpu.vector_store %arg10[%swap3A_271], %add3A_270 {strides = array<i32>} : memref<4096xf32, #tpu.memory_space<vmem>>, vector<16xf32>,
          %add3A_273 = arith.addf %gather3A_252, %gather3A : vector<16xf32>
          %swap3A_274 = arith.index_cast %mul3A_145 : i32 to index
          %swap3A_275 = tpu.vector_load %arg10[%swap3A_274] {strides = array<i32>} : memref<4096xf32, #tpu.memory_space<vmem>>, vector<16xf32>,
          tpu.vector_store %arg10[%swap3A_274], %add3A_273 {strides = array<i32>} : memref<4096xf32, #tpu.memory_space<vmem>>, vector<16xf32>,
          %add3A_276 = arith.addf %gather3A_253, %gather3A : vector<16xf32>
          %swap3A_277 = arith.index_cast %mul3A_151 : i32 to index
          %swap3A_278 = tpu.vector_load %arg10[%swap3A_277] {strides = array<i32>} : memref<4096xf32, #tpu.memory_space<vmem>>, vector<16xf32>,
          tpu.vector_store %arg10[%swap3A_277], %add3A_276 {strides = array<i32>} : memref<4096xf32, #tpu.memory_space<vmem>>, vector<16xf32>,
          %add3A_279 = arith.addf %gather3A_254, %gather3A : vector<16xf32>
          %swap3A_280 = arith.index_cast %mul3A_157 : i32 to index
          %swap3A_281 = tpu.vector_load %arg10[%swap3A_280] {strides = array<i32>} : memref<4096xf32, #tpu.memory_space<vmem>>, vector<16xf32>,
          tpu.vector_store %arg10[%swap3A_280], %add3A_279 {strides = array<i32>} : memref<4096xf32, #tpu.memory_space<vmem>>, vector<16xf32>,
          %add3A_282 = arith.addf %gather3A_255, %gather3A : vector<16xf32>
          %swap3A_283 = arith.index_cast %mul3A_163 : i32 to index
          %swap3A_284 = tpu.vector_load %arg10[%swap3A_283] {strides = array<i32>} : memref<4096xf32, #tpu.memory_space<vmem>>, vector<16xf32>,
          tpu.vector_store %arg10[%swap3A_283], %add3A_282 {strides = array<i32>} : memref<4096xf32, #tpu.memory_space<vmem>>, vector<16xf32>,
          %add3A_285 = arith.addf %gather3A_256, %gather3A : vector<16xf32>
          %swap3A_286 = arith.index_cast %mul3A_169 : i32 to index
          %swap3A_287 = tpu.vector_load %arg10[%swap3A_286] {strides = array<i32>} : memref<4096xf32, #tpu.memory_space<vmem>>, vector<16xf32>,
          tpu.vector_store %arg10[%swap3A_286], %add3A_285 {strides = array<i32>} : memref<4096xf32, #tpu.memory_space<vmem>>, vector<16xf32>,
          %add3A_288 = arith.addf %gather3A_257, %gather3A : vector<16xf32>
          %swap3A_289 = arith.index_cast %mul3A_175 : i32 to index
          %swap3A_290 = tpu.vector_load %arg10[%swap3A_289] {strides = array<i32>} : memref<4096xf32, #tpu.memory_space<vmem>>, vector<16xf32>,
          tpu.vector_store %arg10[%swap3A_289], %add3A_288 {strides = array<i32>} : memref<4096xf32, #tpu.memory_space<vmem>>, vector<16xf32>,
          %add3A_291 = arith.addf %gather3A_258, %gather3A : vector<16xf32>
          %swap3A_292 = arith.index_cast %mul3A_181 : i32 to index
          %swap3A_293 = tpu.vector_load %arg10[%swap3A_292] {strides = array<i32>} : memref<4096xf32, #tpu.memory_space<vmem>>, vector<16xf32>,
          tpu.vector_store %arg10[%swap3A_292], %add3A_291 {strides = array<i32>} : memref<4096xf32, #tpu.memory_space<vmem>>, vector<16xf32>,
          %add3A_294 = arith.addf %gather3A_259, %gather3A : vector<16xf32>
          %swap3A_295 = arith.index_cast %mul3A_187 : i32 to index
          %swap3A_296 = tpu.vector_load %arg10[%swap3A_295] {strides = array<i32>} : memref<4096xf32, #tpu.memory_space<vmem>>, vector<16xf32>,
          tpu.vector_store %arg10[%swap3A_295], %add3A_294 {strides = array<i32>} : memref<4096xf32, #tpu.memory_space<vmem>>, vector<16xf32>,
          %add3A_297 = arith.addf %gather3A_260, %gather3A : vector<16xf32>
          %swap3A_298 = arith.index_cast %mul3A_193 : i32 to index
          %swap3A_299 = tpu.vector_load %arg10[%swap3A_298] {strides = array<i32>} : memref<4096xf32, #tpu.memory_space<vmem>>, vector<16xf32>,
          tpu.vector_store %arg10[%swap3A_298], %add3A_297 {strides = array<i32>} : memref<4096xf32, #tpu.memory_space<vmem>>, vector<16xf32>,
          %add3A_300 = arith.addf %gather3A_261, %gather3A : vector<16xf32>
          %swap3A_301 = arith.index_cast %mul3A_199 : i32 to index
          %swap3A_302 = tpu.vector_load %arg10[%swap3A_301] {strides = array<i32>} : memref<4096xf32, #tpu.memory_space<vmem>>, vector<16xf32>,
          tpu.vector_store %arg10[%swap3A_301], %add3A_300 {strides = array<i32>} : memref<4096xf32, #tpu.memory_space<vmem>>, vector<16xf32>,
          %add3A_303 = arith.addf %gather3A_262, %gather3A : vector<16xf32>
          %swap3A_304 = arith.index_cast %mul3A_205 : i32 to index
          %swap3A_305 = tpu.vector_load %arg10[%swap3A_304] {strides = array<i32>} : memref<4096xf32, #tpu.memory_space<vmem>>, vector<16xf32>,
          tpu.vector_store %arg10[%swap3A_304], %add3A_303 {strides = array<i32>} : memref<4096xf32, #tpu.memory_space<vmem>>, vector<16xf32>,
          %add3A_306 = arith.addf %gather3A_263, %gather3A : vector<16xf32>
          %swap3A_307 = arith.index_cast %mul3A_211 : i32 to index
          %swap3A_308 = tpu.vector_load %arg10[%swap3A_307] {strides = array<i32>} : memref<4096xf32, #tpu.memory_space<vmem>>, vector<16xf32>,
          tpu.vector_store %arg10[%swap3A_307], %add3A_306 {strides = array<i32>} : memref<4096xf32, #tpu.memory_space<vmem>>, vector<16xf32>,
          %add3A_309 = arith.addf %gather3A_264, %gather3A : vector<16xf32>
          %swap3A_310 = arith.index_cast %mul3A_217 : i32 to index
          %swap3A_311 = tpu.vector_load %arg10[%swap3A_310] {strides = array<i32>} : memref<4096xf32, #tpu.memory_space<vmem>>, vector<16xf32>,
          tpu.vector_store %arg10[%swap3A_310], %add3A_309 {strides = array<i32>} : memref<4096xf32, #tpu.memory_space<vmem>>, vector<16xf32>,
          %scan3A_312 = arith.constant 0 : i32
          scf.yield %scan3A_312 : i32
        }
        %scan3A_103 = arith.constant 16 : i32
        %dma_start3A_104 = arith.constant 0 : i32
        %dma_start3A_105 = arith.constant 0 : i32
        %dma_start3A_106 = tpu.memref_slice %arg5[%add3A_62, %add3A_2, %dma_start3A_105] : memref<200x64x4096xf32, #tpu.memory_space<hbm>> -> memref<1x1x4096xf32, #tpu.memory_space<hbm>>
        %dma_start3A_107 = tpu.memref_squeeze %dma_start3A_106 : memref<1x1x4096xf32, #tpu.memory_space<hbm>> -> memref<4096xf32, #tpu.memory_space<hbm>>
        %dma_start3A_108 = tpu.memref_slice %arg13[%dma_start3A_104] : memref<2x!tpu.dma_semaphore, #tpu.memory_space<semaphore_mem>> -> memref<1x!tpu.dma_semaphore, #tpu.memory_space<semaphore_mem>>
        %dma_start3A_109 = tpu.memref_squeeze %dma_start3A_108 : memref<1x!tpu.dma_semaphore, #tpu.memory_space<semaphore_mem>> -> memref<!tpu.dma_semaphore, #tpu.memory_space<semaphore_mem>>
        %dma_start3A_110 = arith.constant 0 : i32
        %dma_start3A_111 = tpu.memref_slice %arg5[%add3A_62, %add3A_2, %dma_start3A_110] : memref<200x64x4096xf32, #tpu.memory_space<hbm>> -> memref<1x1x4096xf32, #tpu.memory_space<hbm>>
        %dma_start3A_112 = tpu.memref_squeeze %dma_start3A_111 : memref<1x1x4096xf32, #tpu.memory_space<hbm>> -> memref<4096xf32, #tpu.memory_space<hbm>>
        tpu.enqueue_dma source(%arg10 : memref<4096xf32, #tpu.memory_space<vmem>>) target(%dma_start3A_112 : memref<4096xf32, #tpu.memory_space<hbm>>) target_semaphore(%dma_start3A_109 : memref<!tpu.dma_semaphore, #tpu.memory_space<semaphore_mem>>)
        %add3A_113 = arith.constant 2 : i32
        %add3A_114 = arith.addi %add3A_62, %add3A_113 : i32
        %lt3A_115 = arith.constant 200 : i32
        %lt3A_116 = arith.cmpi slt, %add3A_114, %lt3A_115 : i32
        %convert_element_type3A_117 = arith.extui %lt3A_116 : i1 to i32
        %cond3A_118 = arith.constant 0 : i32
        %cond3A_119 = arith.cmpi ne, %convert_element_type3A_117, %cond3A_118 : i32
        scf.if %cond3A_119 {
          %add3A_120 = arith.constant 2 : i32
          %add3A_121 = arith.addi %add3A_62, %add3A_120 : i32
          %dma_start3A_122 = arith.constant 0 : i32
          %dma_start3A_123 = arith.constant 0 : i32
          %dma_start3A_124 = tpu.memref_slice %arg2[%add3A_121, %dma_start3A_123] : memref<200x4096xi32, #tpu.memory_space<hbm>> -> memref<1x4096xi32, #tpu.memory_space<hbm>>
          %dma_start3A_125 = tpu.memref_squeeze %dma_start3A_124 : memref<1x4096xi32, #tpu.memory_space<hbm>> -> memref<4096xi32, #tpu.memory_space<hbm>>
          %dma_start3A_126 = tpu.memref_slice %arg12[%dma_start3A_122] : memref<2x!tpu.dma_semaphore, #tpu.memory_space<semaphore_mem>> -> memref<1x!tpu.dma_semaphore, #tpu.memory_space<semaphore_mem>>
          %dma_start3A_127 = tpu.memref_squeeze %dma_start3A_126 : memref<1x!tpu.dma_semaphore, #tpu.memory_space<semaphore_mem>> -> memref<!tpu.dma_semaphore, #tpu.memory_space<semaphore_mem>>
          %dma_start3A_128 = arith.constant 0 : i32
          %dma_start3A_129 = tpu.memref_slice %arg2[%add3A_121, %dma_start3A_128] : memref<200x4096xi32, #tpu.memory_space<hbm>> -> memref<1x4096xi32, #tpu.memory_space<hbm>>
          %dma_start3A_130 = tpu.memref_squeeze %dma_start3A_129 : memref<1x4096xi32, #tpu.memory_space<hbm>> -> memref<4096xi32, #tpu.memory_space<hbm>>
          tpu.enqueue_dma source(%dma_start3A_130 : memref<4096xi32, #tpu.memory_space<hbm>>) target(%arg8 : memref<4096xi32, #tpu.memory_space<vmem>>) target_semaphore(%dma_start3A_127 : memref<!tpu.dma_semaphore, #tpu.memory_space<semaphore_mem>>)
        } else {
        }
      } else {
      }
      %ge3A = arith.constant 200 : i32
      %ge3A_65 = arith.cmpi sge, %add3A_62, %ge3A : i32
      %convert_element_type3A_66 = arith.extui %ge3A_65 : i1 to i32
      %cond3A_67 = arith.constant 0 : i32
      %cond3A_68 = arith.cmpi ne, %convert_element_type3A_66, %cond3A_67 : i32
      scf.if %cond3A_68 {
        %sub3A = arith.constant 2 : i32
        %sub3A_84 = arith.subi %add3A_62, %sub3A : i32
        %dma_wait3A = arith.constant 0 : i32
        %dma_wait3A_85 = arith.constant 0 : i32
        %dma_wait3A_86 = tpu.memref_slice %arg5[%sub3A_84, %add3A_2, %dma_wait3A_85] : memref<200x64x4096xf32, #tpu.memory_space<hbm>> -> memref<1x1x4096xf32, #tpu.memory_space<hbm>>
        %dma_wait3A_87 = tpu.memref_squeeze %dma_wait3A_86 : memref<1x1x4096xf32, #tpu.memory_space<hbm>> -> memref<4096xf32, #tpu.memory_space<hbm>>
        %dma_wait3A_88 = tpu.memref_slice %arg13[%dma_wait3A] : memref<2x!tpu.dma_semaphore, #tpu.memory_space<semaphore_mem>> -> memref<1x!tpu.dma_semaphore, #tpu.memory_space<semaphore_mem>>
        %dma_wait3A_89 = tpu.memref_squeeze %dma_wait3A_88 : memref<1x!tpu.dma_semaphore, #tpu.memory_space<semaphore_mem>> -> memref<!tpu.dma_semaphore, #tpu.memory_space<semaphore_mem>>
        %dma_wait3A_90 = arith.constant 0 : i32
        %dma_wait3A_91 = tpu.memref_slice %arg5[%sub3A_84, %add3A_2, %dma_wait3A_90] : memref<200x64x4096xf32, #tpu.memory_space<hbm>> -> memref<1x1x4096xf32, #tpu.memory_space<hbm>>
        %dma_wait3A_92 = tpu.memref_squeeze %dma_wait3A_91 : memref<1x1x4096xf32, #tpu.memory_space<hbm>> -> memref<4096xf32, #tpu.memory_space<hbm>>
        tpu.wait_dma2 semaphore(%dma_wait3A_89 : memref<!tpu.dma_semaphore, #tpu.memory_space<semaphore_mem>>) src(%arg10 : memref<4096xf32, #tpu.memory_space<vmem>>) dst(%dma_wait3A_92 : memref<4096xf32, #tpu.memory_space<hbm>>)
      } else {
      }
      %mul3A_69 = arith.constant 2 : i32
      %mul3A_70 = arith.muli %mul3A_69, %scan3A_57 : i32
      %add3A_71 = arith.constant 1 : i32
      %add3A_72 = arith.addi %mul3A_70, %add3A_71 : i32
      %lt3A_73 = arith.constant 200 : i32
      %lt3A_74 = arith.cmpi slt, %add3A_72, %lt3A_73 : i32
      %convert_element_type3A_75 = arith.extui %lt3A_74 : i1 to i32
      %cond3A_76 = arith.constant 0 : i32
      %cond3A_77 = arith.cmpi ne, %convert_element_type3A_75, %cond3A_76 : i32
      scf.if %cond3A_77 {
        %dma_wait3A = arith.constant 1 : i32
        %dma_wait3A_84 = arith.constant 0 : i32
        %dma_wait3A_85 = tpu.memref_slice %arg2[%add3A_72, %dma_wait3A_84] : memref<200x4096xi32, #tpu.memory_space<hbm>> -> memref<1x4096xi32, #tpu.memory_space<hbm>>
        %dma_wait3A_86 = tpu.memref_squeeze %dma_wait3A_85 : memref<1x4096xi32, #tpu.memory_space<hbm>> -> memref<4096xi32, #tpu.memory_space<hbm>>
        %dma_wait3A_87 = tpu.memref_slice %arg12[%dma_wait3A] : memref<2x!tpu.dma_semaphore, #tpu.memory_space<semaphore_mem>> -> memref<1x!tpu.dma_semaphore, #tpu.memory_space<semaphore_mem>>
        %dma_wait3A_88 = tpu.memref_squeeze %dma_wait3A_87 : memref<1x!tpu.dma_semaphore, #tpu.memory_space<semaphore_mem>> -> memref<!tpu.dma_semaphore, #tpu.memory_space<semaphore_mem>>
        %dma_wait3A_89 = arith.constant 0 : i32
        %dma_wait3A_90 = tpu.memref_slice %arg2[%add3A_72, %dma_wait3A_89] : memref<200x4096xi32, #tpu.memory_space<hbm>> -> memref<1x4096xi32, #tpu.memory_space<hbm>>
        %dma_wait3A_91 = tpu.memref_squeeze %dma_wait3A_90 : memref<1x4096xi32, #tpu.memory_space<hbm>> -> memref<4096xi32, #tpu.memory_space<hbm>>
        tpu.wait_dma2 semaphore(%dma_wait3A_88 : memref<!tpu.dma_semaphore, #tpu.memory_space<semaphore_mem>>) src(%dma_wait3A_91 : memref<4096xi32, #tpu.memory_space<hbm>>) dst(%arg9 : memref<4096xi32, #tpu.memory_space<vmem>>)
        %ge3A_92 = arith.constant 2 : i32
        %ge3A_93 = arith.cmpi sge, %add3A_72, %ge3A_92 : i32
        %convert_element_type3A_94 = arith.extui %ge3A_93 : i1 to i32
        %cond3A_95 = arith.constant 0 : i32
        %cond3A_96 = arith.cmpi ne, %convert_element_type3A_94, %cond3A_95 : i32
        scf.if %cond3A_96 {
          %sub3A = arith.constant 2 : i32
          %sub3A_120 = arith.subi %add3A_72, %sub3A : i32
          %dma_wait3A_121 = arith.constant 1 : i32
          %dma_wait3A_122 = arith.constant 0 : i32
          %dma_wait3A_123 = tpu.memref_slice %arg5[%sub3A_120, %add3A_2, %dma_wait3A_122] : memref<200x64x4096xf32, #tpu.memory_space<hbm>> -> memref<1x1x4096xf32, #tpu.memory_space<hbm>>
          %dma_wait3A_124 = tpu.memref_squeeze %dma_wait3A_123 : memref<1x1x4096xf32, #tpu.memory_space<hbm>> -> memref<4096xf32, #tpu.memory_space<hbm>>
          %dma_wait3A_125 = tpu.memref_slice %arg13[%dma_wait3A_121] : memref<2x!tpu.dma_semaphore, #tpu.memory_space<semaphore_mem>> -> memref<1x!tpu.dma_semaphore, #tpu.memory_space<semaphore_mem>>
          %dma_wait3A_126 = tpu.memref_squeeze %dma_wait3A_125 : memref<1x!tpu.dma_semaphore, #tpu.memory_space<semaphore_mem>> -> memref<!tpu.dma_semaphore, #tpu.memory_space<semaphore_mem>>
          %dma_wait3A_127 = arith.constant 0 : i32
          %dma_wait3A_128 = tpu.memref_slice %arg5[%sub3A_120, %add3A_2, %dma_wait3A_127] : memref<200x64x4096xf32, #tpu.memory_space<hbm>> -> memref<1x1x4096xf32, #tpu.memory_space<hbm>>
          %dma_wait3A_129 = tpu.memref_squeeze %dma_wait3A_128 : memref<1x1x4096xf32, #tpu.memory_space<hbm>> -> memref<4096xf32, #tpu.memory_space<hbm>>
          tpu.wait_dma2 semaphore(%dma_wait3A_126 : memref<!tpu.dma_semaphore, #tpu.memory_space<semaphore_mem>>) src(%arg11 : memref<4096xf32, #tpu.memory_space<vmem>>) dst(%dma_wait3A_129 : memref<4096xf32, #tpu.memory_space<hbm>>)
        } else {
        }
        %broadcast_in_dim3A = vector.broadcast %add3A_72 : i32 to vector<16xi32>
        %gather3A = tpu.vector_load_idx %arg7[%broadcast_in_dim3A] : memref<256xf32, #tpu.memory_space<vmem>>[vector<16xi32>], vector<16xf32>,
        %scan3A_97 = arith.constant 0 : i32
        %scan3A_98 = arith.constant 0 : i32
        %scan3A_99 = arith.constant 16 : i32
        %scan3A_100 = arith.addi %scan3A_98, %scan3A_99 : i32
        %scan3A_101 = arith.constant 1 : i32
        %scan3A_102 = scf.for %scan3A_120 = %scan3A_98 to %scan3A_100 step %scan3A_101 iter_args(%scan3A_121 = %scan3A_97) -> (i32)  : i32 {
          %mul3A_122 = arith.constant 16 : i32
          %mul3A_123 = arith.muli %mul3A_122, %scan3A_120 : i32
          %add3A_124 = arith.constant 0 : i32
          %add3A_125 = arith.addi %mul3A_123, %add3A_124 : i32
          %mul3A_126 = arith.constant 16 : i32
          %mul3A_127 = arith.muli %add3A_125, %mul3A_126 : i32
          %mul3A_128 = arith.constant 16 : i32
          %mul3A_129 = arith.muli %mul3A_128, %scan3A_120 : i32
          %add3A_130 = arith.constant 1 : i32
          %add3A_131 = arith.addi %mul3A_129, %add3A_130 : i32
          %mul3A_132 = arith.constant 16 : i32
          %mul3A_133 = arith.muli %add3A_131, %mul3A_132 : i32
          %mul3A_134 = arith.constant 16 : i32
          %mul3A_135 = arith.muli %mul3A_134, %scan3A_120 : i32
          %add3A_136 = arith.constant 2 : i32
          %add3A_137 = arith.addi %mul3A_135, %add3A_136 : i32
          %mul3A_138 = arith.constant 16 : i32
          %mul3A_139 = arith.muli %add3A_137, %mul3A_138 : i32
          %mul3A_140 = arith.constant 16 : i32
          %mul3A_141 = arith.muli %mul3A_140, %scan3A_120 : i32
          %add3A_142 = arith.constant 3 : i32
          %add3A_143 = arith.addi %mul3A_141, %add3A_142 : i32
          %mul3A_144 = arith.constant 16 : i32
          %mul3A_145 = arith.muli %add3A_143, %mul3A_144 : i32
          %mul3A_146 = arith.constant 16 : i32
          %mul3A_147 = arith.muli %mul3A_146, %scan3A_120 : i32
          %add3A_148 = arith.constant 4 : i32
          %add3A_149 = arith.addi %mul3A_147, %add3A_148 : i32
          %mul3A_150 = arith.constant 16 : i32
          %mul3A_151 = arith.muli %add3A_149, %mul3A_150 : i32
          %mul3A_152 = arith.constant 16 : i32
          %mul3A_153 = arith.muli %mul3A_152, %scan3A_120 : i32
          %add3A_154 = arith.constant 5 : i32
          %add3A_155 = arith.addi %mul3A_153, %add3A_154 : i32
          %mul3A_156 = arith.constant 16 : i32
          %mul3A_157 = arith.muli %add3A_155, %mul3A_156 : i32
          %mul3A_158 = arith.constant 16 : i32
          %mul3A_159 = arith.muli %mul3A_158, %scan3A_120 : i32
          %add3A_160 = arith.constant 6 : i32
          %add3A_161 = arith.addi %mul3A_159, %add3A_160 : i32
          %mul3A_162 = arith.constant 16 : i32
          %mul3A_163 = arith.muli %add3A_161, %mul3A_162 : i32
          %mul3A_164 = arith.constant 16 : i32
          %mul3A_165 = arith.muli %mul3A_164, %scan3A_120 : i32
          %add3A_166 = arith.constant 7 : i32
          %add3A_167 = arith.addi %mul3A_165, %add3A_166 : i32
          %mul3A_168 = arith.constant 16 : i32
          %mul3A_169 = arith.muli %add3A_167, %mul3A_168 : i32
          %mul3A_170 = arith.constant 16 : i32
          %mul3A_171 = arith.muli %mul3A_170, %scan3A_120 : i32
          %add3A_172 = arith.constant 8 : i32
          %add3A_173 = arith.addi %mul3A_171, %add3A_172 : i32
          %mul3A_174 = arith.constant 16 : i32
          %mul3A_175 = arith.muli %add3A_173, %mul3A_174 : i32
          %mul3A_176 = arith.constant 16 : i32
          %mul3A_177 = arith.muli %mul3A_176, %scan3A_120 : i32
          %add3A_178 = arith.constant 9 : i32
          %add3A_179 = arith.addi %mul3A_177, %add3A_178 : i32
          %mul3A_180 = arith.constant 16 : i32
          %mul3A_181 = arith.muli %add3A_179, %mul3A_180 : i32
          %mul3A_182 = arith.constant 16 : i32
          %mul3A_183 = arith.muli %mul3A_182, %scan3A_120 : i32
          %add3A_184 = arith.constant 10 : i32
          %add3A_185 = arith.addi %mul3A_183, %add3A_184 : i32
          %mul3A_186 = arith.constant 16 : i32
          %mul3A_187 = arith.muli %add3A_185, %mul3A_186 : i32
          %mul3A_188 = arith.constant 16 : i32
          %mul3A_189 = arith.muli %mul3A_188, %scan3A_120 : i32
          %add3A_190 = arith.constant 11 : i32
          %add3A_191 = arith.addi %mul3A_189, %add3A_190 : i32
          %mul3A_192 = arith.constant 16 : i32
          %mul3A_193 = arith.muli %add3A_191, %mul3A_192 : i32
          %mul3A_194 = arith.constant 16 : i32
          %mul3A_195 = arith.muli %mul3A_194, %scan3A_120 : i32
          %add3A_196 = arith.constant 12 : i32
          %add3A_197 = arith.addi %mul3A_195, %add3A_196 : i32
          %mul3A_198 = arith.constant 16 : i32
          %mul3A_199 = arith.muli %add3A_197, %mul3A_198 : i32
          %mul3A_200 = arith.constant 16 : i32
          %mul3A_201 = arith.muli %mul3A_200, %scan3A_120 : i32
          %add3A_202 = arith.constant 13 : i32
          %add3A_203 = arith.addi %mul3A_201, %add3A_202 : i32
          %mul3A_204 = arith.constant 16 : i32
          %mul3A_205 = arith.muli %add3A_203, %mul3A_204 : i32
          %mul3A_206 = arith.constant 16 : i32
          %mul3A_207 = arith.muli %mul3A_206, %scan3A_120 : i32
          %add3A_208 = arith.constant 14 : i32
          %add3A_209 = arith.addi %mul3A_207, %add3A_208 : i32
          %mul3A_210 = arith.constant 16 : i32
          %mul3A_211 = arith.muli %add3A_209, %mul3A_210 : i32
          %mul3A_212 = arith.constant 16 : i32
          %mul3A_213 = arith.muli %mul3A_212, %scan3A_120 : i32
          %add3A_214 = arith.constant 15 : i32
          %add3A_215 = arith.addi %mul3A_213, %add3A_214 : i32
          %mul3A_216 = arith.constant 16 : i32
          %mul3A_217 = arith.muli %add3A_215, %mul3A_216 : i32
          %get3A = arith.index_cast %mul3A_127 : i32 to index
          %get3A_218 = tpu.vector_load %arg9[%get3A] {strides = array<i32>} : memref<4096xi32, #tpu.memory_space<vmem>>, vector<16xi32>,
          %get3A_219 = arith.index_cast %mul3A_133 : i32 to index
          %get3A_220 = tpu.vector_load %arg9[%get3A_219] {strides = array<i32>} : memref<4096xi32, #tpu.memory_space<vmem>>, vector<16xi32>,
          %get3A_221 = arith.index_cast %mul3A_139 : i32 to index
          %get3A_222 = tpu.vector_load %arg9[%get3A_221] {strides = array<i32>} : memref<4096xi32, #tpu.memory_space<vmem>>, vector<16xi32>,
          %get3A_223 = arith.index_cast %mul3A_145 : i32 to index
          %get3A_224 = tpu.vector_load %arg9[%get3A_223] {strides = array<i32>} : memref<4096xi32, #tpu.memory_space<vmem>>, vector<16xi32>,
          %get3A_225 = arith.index_cast %mul3A_151 : i32 to index
          %get3A_226 = tpu.vector_load %arg9[%get3A_225] {strides = array<i32>} : memref<4096xi32, #tpu.memory_space<vmem>>, vector<16xi32>,
          %get3A_227 = arith.index_cast %mul3A_157 : i32 to index
          %get3A_228 = tpu.vector_load %arg9[%get3A_227] {strides = array<i32>} : memref<4096xi32, #tpu.memory_space<vmem>>, vector<16xi32>,
          %get3A_229 = arith.index_cast %mul3A_163 : i32 to index
          %get3A_230 = tpu.vector_load %arg9[%get3A_229] {strides = array<i32>} : memref<4096xi32, #tpu.memory_space<vmem>>, vector<16xi32>,
          %get3A_231 = arith.index_cast %mul3A_169 : i32 to index
          %get3A_232 = tpu.vector_load %arg9[%get3A_231] {strides = array<i32>} : memref<4096xi32, #tpu.memory_space<vmem>>, vector<16xi32>,
          %get3A_233 = arith.index_cast %mul3A_175 : i32 to index
          %get3A_234 = tpu.vector_load %arg9[%get3A_233] {strides = array<i32>} : memref<4096xi32, #tpu.memory_space<vmem>>, vector<16xi32>,
          %get3A_235 = arith.index_cast %mul3A_181 : i32 to index
          %get3A_236 = tpu.vector_load %arg9[%get3A_235] {strides = array<i32>} : memref<4096xi32, #tpu.memory_space<vmem>>, vector<16xi32>,
          %get3A_237 = arith.index_cast %mul3A_187 : i32 to index
          %get3A_238 = tpu.vector_load %arg9[%get3A_237] {strides = array<i32>} : memref<4096xi32, #tpu.memory_space<vmem>>, vector<16xi32>,
          %get3A_239 = arith.index_cast %mul3A_193 : i32 to index
          %get3A_240 = tpu.vector_load %arg9[%get3A_239] {strides = array<i32>} : memref<4096xi32, #tpu.memory_space<vmem>>, vector<16xi32>,
          %get3A_241 = arith.index_cast %mul3A_199 : i32 to index
          %get3A_242 = tpu.vector_load %arg9[%get3A_241] {strides = array<i32>} : memref<4096xi32, #tpu.memory_space<vmem>>, vector<16xi32>,
          %get3A_243 = arith.index_cast %mul3A_205 : i32 to index
          %get3A_244 = tpu.vector_load %arg9[%get3A_243] {strides = array<i32>} : memref<4096xi32, #tpu.memory_space<vmem>>, vector<16xi32>,
          %get3A_245 = arith.index_cast %mul3A_211 : i32 to index
          %get3A_246 = tpu.vector_load %arg9[%get3A_245] {strides = array<i32>} : memref<4096xi32, #tpu.memory_space<vmem>>, vector<16xi32>,
          %get3A_247 = arith.index_cast %mul3A_217 : i32 to index
          %get3A_248 = tpu.vector_load %arg9[%get3A_247] {strides = array<i32>} : memref<4096xi32, #tpu.memory_space<vmem>>, vector<16xi32>,
          %gather3A_249 = tpu.vector_load_idx %arg6[%get3A_218] : memref<100000xf32, #tpu.memory_space<vmem>>[vector<16xi32>], vector<16xf32>,
          %gather3A_250 = tpu.vector_load_idx %arg6[%get3A_220] : memref<100000xf32, #tpu.memory_space<vmem>>[vector<16xi32>], vector<16xf32>,
          %gather3A_251 = tpu.vector_load_idx %arg6[%get3A_222] : memref<100000xf32, #tpu.memory_space<vmem>>[vector<16xi32>], vector<16xf32>,
          %gather3A_252 = tpu.vector_load_idx %arg6[%get3A_224] : memref<100000xf32, #tpu.memory_space<vmem>>[vector<16xi32>], vector<16xf32>,
          %gather3A_253 = tpu.vector_load_idx %arg6[%get3A_226] : memref<100000xf32, #tpu.memory_space<vmem>>[vector<16xi32>], vector<16xf32>,
          %gather3A_254 = tpu.vector_load_idx %arg6[%get3A_228] : memref<100000xf32, #tpu.memory_space<vmem>>[vector<16xi32>], vector<16xf32>,
          %gather3A_255 = tpu.vector_load_idx %arg6[%get3A_230] : memref<100000xf32, #tpu.memory_space<vmem>>[vector<16xi32>], vector<16xf32>,
          %gather3A_256 = tpu.vector_load_idx %arg6[%get3A_232] : memref<100000xf32, #tpu.memory_space<vmem>>[vector<16xi32>], vector<16xf32>,
          %gather3A_257 = tpu.vector_load_idx %arg6[%get3A_234] : memref<100000xf32, #tpu.memory_space<vmem>>[vector<16xi32>], vector<16xf32>,
          %gather3A_258 = tpu.vector_load_idx %arg6[%get3A_236] : memref<100000xf32, #tpu.memory_space<vmem>>[vector<16xi32>], vector<16xf32>,
          %gather3A_259 = tpu.vector_load_idx %arg6[%get3A_238] : memref<100000xf32, #tpu.memory_space<vmem>>[vector<16xi32>], vector<16xf32>,
          %gather3A_260 = tpu.vector_load_idx %arg6[%get3A_240] : memref<100000xf32, #tpu.memory_space<vmem>>[vector<16xi32>], vector<16xf32>,
          %gather3A_261 = tpu.vector_load_idx %arg6[%get3A_242] : memref<100000xf32, #tpu.memory_space<vmem>>[vector<16xi32>], vector<16xf32>,
          %gather3A_262 = tpu.vector_load_idx %arg6[%get3A_244] : memref<100000xf32, #tpu.memory_space<vmem>>[vector<16xi32>], vector<16xf32>,
          %gather3A_263 = tpu.vector_load_idx %arg6[%get3A_246] : memref<100000xf32, #tpu.memory_space<vmem>>[vector<16xi32>], vector<16xf32>,
          %gather3A_264 = tpu.vector_load_idx %arg6[%get3A_248] : memref<100000xf32, #tpu.memory_space<vmem>>[vector<16xi32>], vector<16xf32>,
          %add3A_265 = arith.addf %gather3A_249, %gather3A : vector<16xf32>
          %swap3A = arith.index_cast %mul3A_127 : i32 to index
          %swap3A_266 = tpu.vector_load %arg11[%swap3A] {strides = array<i32>} : memref<4096xf32, #tpu.memory_space<vmem>>, vector<16xf32>,
          tpu.vector_store %arg11[%swap3A], %add3A_265 {strides = array<i32>} : memref<4096xf32, #tpu.memory_space<vmem>>, vector<16xf32>,
          %add3A_267 = arith.addf %gather3A_250, %gather3A : vector<16xf32>
          %swap3A_268 = arith.index_cast %mul3A_133 : i32 to index
          %swap3A_269 = tpu.vector_load %arg11[%swap3A_268] {strides = array<i32>} : memref<4096xf32, #tpu.memory_space<vmem>>, vector<16xf32>,
          tpu.vector_store %arg11[%swap3A_268], %add3A_267 {strides = array<i32>} : memref<4096xf32, #tpu.memory_space<vmem>>, vector<16xf32>,
          %add3A_270 = arith.addf %gather3A_251, %gather3A : vector<16xf32>
          %swap3A_271 = arith.index_cast %mul3A_139 : i32 to index
          %swap3A_272 = tpu.vector_load %arg11[%swap3A_271] {strides = array<i32>} : memref<4096xf32, #tpu.memory_space<vmem>>, vector<16xf32>,
          tpu.vector_store %arg11[%swap3A_271], %add3A_270 {strides = array<i32>} : memref<4096xf32, #tpu.memory_space<vmem>>, vector<16xf32>,
          %add3A_273 = arith.addf %gather3A_252, %gather3A : vector<16xf32>
          %swap3A_274 = arith.index_cast %mul3A_145 : i32 to index
          %swap3A_275 = tpu.vector_load %arg11[%swap3A_274] {strides = array<i32>} : memref<4096xf32, #tpu.memory_space<vmem>>, vector<16xf32>,
          tpu.vector_store %arg11[%swap3A_274], %add3A_273 {strides = array<i32>} : memref<4096xf32, #tpu.memory_space<vmem>>, vector<16xf32>,
          %add3A_276 = arith.addf %gather3A_253, %gather3A : vector<16xf32>
          %swap3A_277 = arith.index_cast %mul3A_151 : i32 to index
          %swap3A_278 = tpu.vector_load %arg11[%swap3A_277] {strides = array<i32>} : memref<4096xf32, #tpu.memory_space<vmem>>, vector<16xf32>,
          tpu.vector_store %arg11[%swap3A_277], %add3A_276 {strides = array<i32>} : memref<4096xf32, #tpu.memory_space<vmem>>, vector<16xf32>,
          %add3A_279 = arith.addf %gather3A_254, %gather3A : vector<16xf32>
          %swap3A_280 = arith.index_cast %mul3A_157 : i32 to index
          %swap3A_281 = tpu.vector_load %arg11[%swap3A_280] {strides = array<i32>} : memref<4096xf32, #tpu.memory_space<vmem>>, vector<16xf32>,
          tpu.vector_store %arg11[%swap3A_280], %add3A_279 {strides = array<i32>} : memref<4096xf32, #tpu.memory_space<vmem>>, vector<16xf32>,
          %add3A_282 = arith.addf %gather3A_255, %gather3A : vector<16xf32>
          %swap3A_283 = arith.index_cast %mul3A_163 : i32 to index
          %swap3A_284 = tpu.vector_load %arg11[%swap3A_283] {strides = array<i32>} : memref<4096xf32, #tpu.memory_space<vmem>>, vector<16xf32>,
          tpu.vector_store %arg11[%swap3A_283], %add3A_282 {strides = array<i32>} : memref<4096xf32, #tpu.memory_space<vmem>>, vector<16xf32>,
          %add3A_285 = arith.addf %gather3A_256, %gather3A : vector<16xf32>
          %swap3A_286 = arith.index_cast %mul3A_169 : i32 to index
          %swap3A_287 = tpu.vector_load %arg11[%swap3A_286] {strides = array<i32>} : memref<4096xf32, #tpu.memory_space<vmem>>, vector<16xf32>,
          tpu.vector_store %arg11[%swap3A_286], %add3A_285 {strides = array<i32>} : memref<4096xf32, #tpu.memory_space<vmem>>, vector<16xf32>,
          %add3A_288 = arith.addf %gather3A_257, %gather3A : vector<16xf32>
          %swap3A_289 = arith.index_cast %mul3A_175 : i32 to index
          %swap3A_290 = tpu.vector_load %arg11[%swap3A_289] {strides = array<i32>} : memref<4096xf32, #tpu.memory_space<vmem>>, vector<16xf32>,
          tpu.vector_store %arg11[%swap3A_289], %add3A_288 {strides = array<i32>} : memref<4096xf32, #tpu.memory_space<vmem>>, vector<16xf32>,
          %add3A_291 = arith.addf %gather3A_258, %gather3A : vector<16xf32>
          %swap3A_292 = arith.index_cast %mul3A_181 : i32 to index
          %swap3A_293 = tpu.vector_load %arg11[%swap3A_292] {strides = array<i32>} : memref<4096xf32, #tpu.memory_space<vmem>>, vector<16xf32>,
          tpu.vector_store %arg11[%swap3A_292], %add3A_291 {strides = array<i32>} : memref<4096xf32, #tpu.memory_space<vmem>>, vector<16xf32>,
          %add3A_294 = arith.addf %gather3A_259, %gather3A : vector<16xf32>
          %swap3A_295 = arith.index_cast %mul3A_187 : i32 to index
          %swap3A_296 = tpu.vector_load %arg11[%swap3A_295] {strides = array<i32>} : memref<4096xf32, #tpu.memory_space<vmem>>, vector<16xf32>,
          tpu.vector_store %arg11[%swap3A_295], %add3A_294 {strides = array<i32>} : memref<4096xf32, #tpu.memory_space<vmem>>, vector<16xf32>,
          %add3A_297 = arith.addf %gather3A_260, %gather3A : vector<16xf32>
          %swap3A_298 = arith.index_cast %mul3A_193 : i32 to index
          %swap3A_299 = tpu.vector_load %arg11[%swap3A_298] {strides = array<i32>} : memref<4096xf32, #tpu.memory_space<vmem>>, vector<16xf32>,
          tpu.vector_store %arg11[%swap3A_298], %add3A_297 {strides = array<i32>} : memref<4096xf32, #tpu.memory_space<vmem>>, vector<16xf32>,
          %add3A_300 = arith.addf %gather3A_261, %gather3A : vector<16xf32>
          %swap3A_301 = arith.index_cast %mul3A_199 : i32 to index
          %swap3A_302 = tpu.vector_load %arg11[%swap3A_301] {strides = array<i32>} : memref<4096xf32, #tpu.memory_space<vmem>>, vector<16xf32>,
          tpu.vector_store %arg11[%swap3A_301], %add3A_300 {strides = array<i32>} : memref<4096xf32, #tpu.memory_space<vmem>>, vector<16xf32>,
          %add3A_303 = arith.addf %gather3A_262, %gather3A : vector<16xf32>
          %swap3A_304 = arith.index_cast %mul3A_205 : i32 to index
          %swap3A_305 = tpu.vector_load %arg11[%swap3A_304] {strides = array<i32>} : memref<4096xf32, #tpu.memory_space<vmem>>, vector<16xf32>,
          tpu.vector_store %arg11[%swap3A_304], %add3A_303 {strides = array<i32>} : memref<4096xf32, #tpu.memory_space<vmem>>, vector<16xf32>,
          %add3A_306 = arith.addf %gather3A_263, %gather3A : vector<16xf32>
          %swap3A_307 = arith.index_cast %mul3A_211 : i32 to index
          %swap3A_308 = tpu.vector_load %arg11[%swap3A_307] {strides = array<i32>} : memref<4096xf32, #tpu.memory_space<vmem>>, vector<16xf32>,
          tpu.vector_store %arg11[%swap3A_307], %add3A_306 {strides = array<i32>} : memref<4096xf32, #tpu.memory_space<vmem>>, vector<16xf32>,
          %add3A_309 = arith.addf %gather3A_264, %gather3A : vector<16xf32>
          %swap3A_310 = arith.index_cast %mul3A_217 : i32 to index
          %swap3A_311 = tpu.vector_load %arg11[%swap3A_310] {strides = array<i32>} : memref<4096xf32, #tpu.memory_space<vmem>>, vector<16xf32>,
          tpu.vector_store %arg11[%swap3A_310], %add3A_309 {strides = array<i32>} : memref<4096xf32, #tpu.memory_space<vmem>>, vector<16xf32>,
          %scan3A_312 = arith.constant 0 : i32
          scf.yield %scan3A_312 : i32
        }
        %scan3A_103 = arith.constant 16 : i32
        %dma_start3A_104 = arith.constant 1 : i32
        %dma_start3A_105 = arith.constant 0 : i32
        %dma_start3A_106 = tpu.memref_slice %arg5[%add3A_72, %add3A_2, %dma_start3A_105] : memref<200x64x4096xf32, #tpu.memory_space<hbm>> -> memref<1x1x4096xf32, #tpu.memory_space<hbm>>
        %dma_start3A_107 = tpu.memref_squeeze %dma_start3A_106 : memref<1x1x4096xf32, #tpu.memory_space<hbm>> -> memref<4096xf32, #tpu.memory_space<hbm>>
        %dma_start3A_108 = tpu.memref_slice %arg13[%dma_start3A_104] : memref<2x!tpu.dma_semaphore, #tpu.memory_space<semaphore_mem>> -> memref<1x!tpu.dma_semaphore, #tpu.memory_space<semaphore_mem>>
        %dma_start3A_109 = tpu.memref_squeeze %dma_start3A_108 : memref<1x!tpu.dma_semaphore, #tpu.memory_space<semaphore_mem>> -> memref<!tpu.dma_semaphore, #tpu.memory_space<semaphore_mem>>
        %dma_start3A_110 = arith.constant 0 : i32
        %dma_start3A_111 = tpu.memref_slice %arg5[%add3A_72, %add3A_2, %dma_start3A_110] : memref<200x64x4096xf32, #tpu.memory_space<hbm>> -> memref<1x1x4096xf32, #tpu.memory_space<hbm>>
        %dma_start3A_112 = tpu.memref_squeeze %dma_start3A_111 : memref<1x1x4096xf32, #tpu.memory_space<hbm>> -> memref<4096xf32, #tpu.memory_space<hbm>>
        tpu.enqueue_dma source(%arg11 : memref<4096xf32, #tpu.memory_space<vmem>>) target(%dma_start3A_112 : memref<4096xf32, #tpu.memory_space<hbm>>) target_semaphore(%dma_start3A_109 : memref<!tpu.dma_semaphore, #tpu.memory_space<semaphore_mem>>)
        %add3A_113 = arith.constant 2 : i32
        %add3A_114 = arith.addi %add3A_72, %add3A_113 : i32
        %lt3A_115 = arith.constant 200 : i32
        %lt3A_116 = arith.cmpi slt, %add3A_114, %lt3A_115 : i32
        %convert_element_type3A_117 = arith.extui %lt3A_116 : i1 to i32
        %cond3A_118 = arith.constant 0 : i32
        %cond3A_119 = arith.cmpi ne, %convert_element_type3A_117, %cond3A_118 : i32
        scf.if %cond3A_119 {
          %add3A_120 = arith.constant 2 : i32
          %add3A_121 = arith.addi %add3A_72, %add3A_120 : i32
          %dma_start3A_122 = arith.constant 1 : i32
          %dma_start3A_123 = arith.constant 0 : i32
          %dma_start3A_124 = tpu.memref_slice %arg2[%add3A_121, %dma_start3A_123] : memref<200x4096xi32, #tpu.memory_space<hbm>> -> memref<1x4096xi32, #tpu.memory_space<hbm>>
          %dma_start3A_125 = tpu.memref_squeeze %dma_start3A_124 : memref<1x4096xi32, #tpu.memory_space<hbm>> -> memref<4096xi32, #tpu.memory_space<hbm>>
          %dma_start3A_126 = tpu.memref_slice %arg12[%dma_start3A_122] : memref<2x!tpu.dma_semaphore, #tpu.memory_space<semaphore_mem>> -> memref<1x!tpu.dma_semaphore, #tpu.memory_space<semaphore_mem>>
          %dma_start3A_127 = tpu.memref_squeeze %dma_start3A_126 : memref<1x!tpu.dma_semaphore, #tpu.memory_space<semaphore_mem>> -> memref<!tpu.dma_semaphore, #tpu.memory_space<semaphore_mem>>
          %dma_start3A_128 = arith.constant 0 : i32
          %dma_start3A_129 = tpu.memref_slice %arg2[%add3A_121, %dma_start3A_128] : memref<200x4096xi32, #tpu.memory_space<hbm>> -> memref<1x4096xi32, #tpu.memory_space<hbm>>
          %dma_start3A_130 = tpu.memref_squeeze %dma_start3A_129 : memref<1x4096xi32, #tpu.memory_space<hbm>> -> memref<4096xi32, #tpu.memory_space<hbm>>
          tpu.enqueue_dma source(%dma_start3A_130 : memref<4096xi32, #tpu.memory_space<hbm>>) target(%arg9 : memref<4096xi32, #tpu.memory_space<vmem>>) target_semaphore(%dma_start3A_127 : memref<!tpu.dma_semaphore, #tpu.memory_space<semaphore_mem>>)
        } else {
        }
      } else {
      }
      %ge3A_78 = arith.constant 200 : i32
      %ge3A_79 = arith.cmpi sge, %add3A_72, %ge3A_78 : i32
      %convert_element_type3A_80 = arith.extui %ge3A_79 : i1 to i32
      %cond3A_81 = arith.constant 0 : i32
      %cond3A_82 = arith.cmpi ne, %convert_element_type3A_80, %cond3A_81 : i32
      scf.if %cond3A_82 {
        %sub3A = arith.constant 2 : i32
        %sub3A_84 = arith.subi %add3A_72, %sub3A : i32
        %dma_wait3A = arith.constant 1 : i32
        %dma_wait3A_85 = arith.constant 0 : i32
        %dma_wait3A_86 = tpu.memref_slice %arg5[%sub3A_84, %add3A_2, %dma_wait3A_85] : memref<200x64x4096xf32, #tpu.memory_space<hbm>> -> memref<1x1x4096xf32, #tpu.memory_space<hbm>>
        %dma_wait3A_87 = tpu.memref_squeeze %dma_wait3A_86 : memref<1x1x4096xf32, #tpu.memory_space<hbm>> -> memref<4096xf32, #tpu.memory_space<hbm>>
        %dma_wait3A_88 = tpu.memref_slice %arg13[%dma_wait3A] : memref<2x!tpu.dma_semaphore, #tpu.memory_space<semaphore_mem>> -> memref<1x!tpu.dma_semaphore, #tpu.memory_space<semaphore_mem>>
        %dma_wait3A_89 = tpu.memref_squeeze %dma_wait3A_88 : memref<1x!tpu.dma_semaphore, #tpu.memory_space<semaphore_mem>> -> memref<!tpu.dma_semaphore, #tpu.memory_space<semaphore_mem>>
        %dma_wait3A_90 = arith.constant 0 : i32
        %dma_wait3A_91 = tpu.memref_slice %arg5[%sub3A_84, %add3A_2, %dma_wait3A_90] : memref<200x64x4096xf32, #tpu.memory_space<hbm>> -> memref<1x1x4096xf32, #tpu.memory_space<hbm>>
        %dma_wait3A_92 = tpu.memref_squeeze %dma_wait3A_91 : memref<1x1x4096xf32, #tpu.memory_space<hbm>> -> memref<4096xf32, #tpu.memory_space<hbm>>
        tpu.wait_dma2 semaphore(%dma_wait3A_89 : memref<!tpu.dma_semaphore, #tpu.memory_space<semaphore_mem>>) src(%arg11 : memref<4096xf32, #tpu.memory_space<vmem>>) dst(%dma_wait3A_92 : memref<4096xf32, #tpu.memory_space<hbm>>)
      } else {
      }
      %scan3A_83 = arith.constant 0 : i32
      scf.yield %scan3A_83 : i32
    }
    %scan3A_27 = arith.constant 101 : i32
    %add3A_28 = arith.constant 32 : i32
    %add3A_29 = arith.addi %add3A, %add3A_28 : i32
    "tpu.region"() ({
      %run_scoped3A = tpu.sem_alloc : memref<!tpu.dma_semaphore, #tpu.memory_space<semaphore_mem>>
      %dma_start3A_57 = arith.constant 0 : i32
      %dma_start3A_58 = tpu.memref_slice %arg3[%add3A_29, %dma_start3A_57] : memref<64x100000xf32, #tpu.memory_space<hbm>> -> memref<1x100000xf32, #tpu.memory_space<hbm>>
      %dma_start3A_59 = tpu.memref_squeeze %dma_start3A_58 : memref<1x100000xf32, #tpu.memory_space<hbm>> -> memref<100000xf32, #tpu.memory_space<hbm>>
      %dma_start3A_60 = arith.constant 0 : i32
      %dma_start3A_61 = tpu.memref_slice %arg3[%add3A_29, %dma_start3A_60] : memref<64x100000xf32, #tpu.memory_space<hbm>> -> memref<1x100000xf32, #tpu.memory_space<hbm>>
      %dma_start3A_62 = tpu.memref_squeeze %dma_start3A_61 : memref<1x100000xf32, #tpu.memory_space<hbm>> -> memref<100000xf32, #tpu.memory_space<hbm>>
      tpu.enqueue_dma source(%dma_start3A_62 : memref<100000xf32, #tpu.memory_space<hbm>>) target(%arg6 : memref<100000xf32, #tpu.memory_space<vmem>>) target_semaphore(%run_scoped3A : memref<!tpu.dma_semaphore, #tpu.memory_space<semaphore_mem>>)
      %dma_wait3A = arith.constant 0 : i32
      %dma_wait3A_63 = tpu.memref_slice %arg3[%add3A_29, %dma_wait3A] : memref<64x100000xf32, #tpu.memory_space<hbm>> -> memref<1x100000xf32, #tpu.memory_space<hbm>>
      %dma_wait3A_64 = tpu.memref_squeeze %dma_wait3A_63 : memref<1x100000xf32, #tpu.memory_space<hbm>> -> memref<100000xf32, #tpu.memory_space<hbm>>
      %dma_wait3A_65 = arith.constant 0 : i32
      %dma_wait3A_66 = tpu.memref_slice %arg3[%add3A_29, %dma_wait3A_65] : memref<64x100000xf32, #tpu.memory_space<hbm>> -> memref<1x100000xf32, #tpu.memory_space<hbm>>
      %dma_wait3A_67 = tpu.memref_squeeze %dma_wait3A_66 : memref<1x100000xf32, #tpu.memory_space<hbm>> -> memref<100000xf32, #tpu.memory_space<hbm>>
      tpu.wait_dma2 semaphore(%run_scoped3A : memref<!tpu.dma_semaphore, #tpu.memory_space<semaphore_mem>>) src(%dma_wait3A_67 : memref<100000xf32, #tpu.memory_space<hbm>>) dst(%arg6 : memref<100000xf32, #tpu.memory_space<vmem>>)
      tpu.yield
    }) : () -> ()
    "tpu.region"() ({
      %run_scoped3A = tpu.sem_alloc : memref<!tpu.dma_semaphore, #tpu.memory_space<semaphore_mem>>
      %dma_start3A_57 = arith.constant 0 : i32
      %dma_start3A_58 = tpu.memref_slice %arg4[%add3A_29, %dma_start3A_57] : memref<64x256xf32, #tpu.memory_space<hbm>> -> memref<1x256xf32, #tpu.memory_space<hbm>>
      %dma_start3A_59 = tpu.memref_squeeze %dma_start3A_58 : memref<1x256xf32, #tpu.memory_space<hbm>> -> memref<256xf32, #tpu.memory_space<hbm>>
      %dma_start3A_60 = arith.constant 0 : i32
      %dma_start3A_61 = tpu.memref_slice %arg4[%add3A_29, %dma_start3A_60] : memref<64x256xf32, #tpu.memory_space<hbm>> -> memref<1x256xf32, #tpu.memory_space<hbm>>
      %dma_start3A_62 = tpu.memref_squeeze %dma_start3A_61 : memref<1x256xf32, #tpu.memory_space<hbm>> -> memref<256xf32, #tpu.memory_space<hbm>>
      tpu.enqueue_dma source(%dma_start3A_62 : memref<256xf32, #tpu.memory_space<hbm>>) target(%arg7 : memref<256xf32, #tpu.memory_space<vmem>>) target_semaphore(%run_scoped3A : memref<!tpu.dma_semaphore, #tpu.memory_space<semaphore_mem>>)
      %dma_wait3A = arith.constant 0 : i32
      %dma_wait3A_63 = tpu.memref_slice %arg4[%add3A_29, %dma_wait3A] : memref<64x256xf32, #tpu.memory_space<hbm>> -> memref<1x256xf32, #tpu.memory_space<hbm>>
      %dma_wait3A_64 = tpu.memref_squeeze %dma_wait3A_63 : memref<1x256xf32, #tpu.memory_space<hbm>> -> memref<256xf32, #tpu.memory_space<hbm>>
      %dma_wait3A_65 = arith.constant 0 : i32
      %dma_wait3A_66 = tpu.memref_slice %arg4[%add3A_29, %dma_wait3A_65] : memref<64x256xf32, #tpu.memory_space<hbm>> -> memref<1x256xf32, #tpu.memory_space<hbm>>
      %dma_wait3A_67 = tpu.memref_squeeze %dma_wait3A_66 : memref<1x256xf32, #tpu.memory_space<hbm>> -> memref<256xf32, #tpu.memory_space<hbm>>
      tpu.wait_dma2 semaphore(%run_scoped3A : memref<!tpu.dma_semaphore, #tpu.memory_space<semaphore_mem>>) src(%dma_wait3A_67 : memref<256xf32, #tpu.memory_space<hbm>>) dst(%arg7 : memref<256xf32, #tpu.memory_space<vmem>>)
      tpu.yield
    }) : () -> ()
    %dma_start3A_30 = arith.constant 0 : i32
    %dma_start3A_31 = arith.constant 0 : i32
    %dma_start3A_32 = arith.constant 0 : i32
    %dma_start3A_33 = tpu.memref_slice %arg2[%dma_start3A_30, %dma_start3A_32] : memref<200x4096xi32, #tpu.memory_space<hbm>> -> memref<1x4096xi32, #tpu.memory_space<hbm>>
    %dma_start3A_34 = tpu.memref_squeeze %dma_start3A_33 : memref<1x4096xi32, #tpu.memory_space<hbm>> -> memref<4096xi32, #tpu.memory_space<hbm>>
    %dma_start3A_35 = tpu.memref_slice %arg12[%dma_start3A_31] : memref<2x!tpu.dma_semaphore, #tpu.memory_space<semaphore_mem>> -> memref<1x!tpu.dma_semaphore, #tpu.memory_space<semaphore_mem>>
    %dma_start3A_36 = tpu.memref_squeeze %dma_start3A_35 : memref<1x!tpu.dma_semaphore, #tpu.memory_space<semaphore_mem>> -> memref<!tpu.dma_semaphore, #tpu.memory_space<semaphore_mem>>
    %dma_start3A_37 = arith.constant 0 : i32
    %dma_start3A_38 = tpu.memref_slice %arg2[%dma_start3A_30, %dma_start3A_37] : memref<200x4096xi32, #tpu.memory_space<hbm>> -> memref<1x4096xi32, #tpu.memory_space<hbm>>
    %dma_start3A_39 = tpu.memref_squeeze %dma_start3A_38 : memref<1x4096xi32, #tpu.memory_space<hbm>> -> memref<4096xi32, #tpu.memory_space<hbm>>
    tpu.enqueue_dma source(%dma_start3A_39 : memref<4096xi32, #tpu.memory_space<hbm>>) target(%arg8 : memref<4096xi32, #tpu.memory_space<vmem>>) target_semaphore(%dma_start3A_36 : memref<!tpu.dma_semaphore, #tpu.memory_space<semaphore_mem>>)
    %dma_start3A_40 = arith.constant 1 : i32
    %dma_start3A_41 = arith.constant 1 : i32
    %dma_start3A_42 = arith.constant 0 : i32
    %dma_start3A_43 = tpu.memref_slice %arg2[%dma_start3A_40, %dma_start3A_42] : memref<200x4096xi32, #tpu.memory_space<hbm>> -> memref<1x4096xi32, #tpu.memory_space<hbm>>
    %dma_start3A_44 = tpu.memref_squeeze %dma_start3A_43 : memref<1x4096xi32, #tpu.memory_space<hbm>> -> memref<4096xi32, #tpu.memory_space<hbm>>
    %dma_start3A_45 = tpu.memref_slice %arg12[%dma_start3A_41] : memref<2x!tpu.dma_semaphore, #tpu.memory_space<semaphore_mem>> -> memref<1x!tpu.dma_semaphore, #tpu.memory_space<semaphore_mem>>
    %dma_start3A_46 = tpu.memref_squeeze %dma_start3A_45 : memref<1x!tpu.dma_semaphore, #tpu.memory_space<semaphore_mem>> -> memref<!tpu.dma_semaphore, #tpu.memory_space<semaphore_mem>>
    %dma_start3A_47 = arith.constant 0 : i32
    %dma_start3A_48 = tpu.memref_slice %arg2[%dma_start3A_40, %dma_start3A_47] : memref<200x4096xi32, #tpu.memory_space<hbm>> -> memref<1x4096xi32, #tpu.memory_space<hbm>>
    %dma_start3A_49 = tpu.memref_squeeze %dma_start3A_48 : memref<1x4096xi32, #tpu.memory_space<hbm>> -> memref<4096xi32, #tpu.memory_space<hbm>>
    tpu.enqueue_dma source(%dma_start3A_49 : memref<4096xi32, #tpu.memory_space<hbm>>) target(%arg9 : memref<4096xi32, #tpu.memory_space<vmem>>) target_semaphore(%dma_start3A_46 : memref<!tpu.dma_semaphore, #tpu.memory_space<semaphore_mem>>)
    %scan3A_50 = arith.constant 0 : i32
    %scan3A_51 = arith.constant 0 : i32
    %scan3A_52 = arith.constant 101 : i32
    %scan3A_53 = arith.addi %scan3A_51, %scan3A_52 : i32
    %scan3A_54 = arith.constant 1 : i32
    %scan3A_55 = scf.for %scan3A_57 = %scan3A_51 to %scan3A_53 step %scan3A_54 iter_args(%scan3A_58 = %scan3A_50) -> (i32)  : i32 {
      %mul3A_59 = arith.constant 2 : i32
      %mul3A_60 = arith.muli %mul3A_59, %scan3A_57 : i32
      %add3A_61 = arith.constant 0 : i32
      %add3A_62 = arith.addi %mul3A_60, %add3A_61 : i32
      %lt3A = arith.constant 200 : i32
      %lt3A_63 = arith.cmpi slt, %add3A_62, %lt3A : i32
      %convert_element_type3A = arith.extui %lt3A_63 : i1 to i32
      %cond3A = arith.constant 0 : i32
      %cond3A_64 = arith.cmpi ne, %convert_element_type3A, %cond3A : i32
      scf.if %cond3A_64 {
        %dma_wait3A = arith.constant 0 : i32
        %dma_wait3A_84 = arith.constant 0 : i32
        %dma_wait3A_85 = tpu.memref_slice %arg2[%add3A_62, %dma_wait3A_84] : memref<200x4096xi32, #tpu.memory_space<hbm>> -> memref<1x4096xi32, #tpu.memory_space<hbm>>
        %dma_wait3A_86 = tpu.memref_squeeze %dma_wait3A_85 : memref<1x4096xi32, #tpu.memory_space<hbm>> -> memref<4096xi32, #tpu.memory_space<hbm>>
        %dma_wait3A_87 = tpu.memref_slice %arg12[%dma_wait3A] : memref<2x!tpu.dma_semaphore, #tpu.memory_space<semaphore_mem>> -> memref<1x!tpu.dma_semaphore, #tpu.memory_space<semaphore_mem>>
        %dma_wait3A_88 = tpu.memref_squeeze %dma_wait3A_87 : memref<1x!tpu.dma_semaphore, #tpu.memory_space<semaphore_mem>> -> memref<!tpu.dma_semaphore, #tpu.memory_space<semaphore_mem>>
        %dma_wait3A_89 = arith.constant 0 : i32
        %dma_wait3A_90 = tpu.memref_slice %arg2[%add3A_62, %dma_wait3A_89] : memref<200x4096xi32, #tpu.memory_space<hbm>> -> memref<1x4096xi32, #tpu.memory_space<hbm>>
        %dma_wait3A_91 = tpu.memref_squeeze %dma_wait3A_90 : memref<1x4096xi32, #tpu.memory_space<hbm>> -> memref<4096xi32, #tpu.memory_space<hbm>>
        tpu.wait_dma2 semaphore(%dma_wait3A_88 : memref<!tpu.dma_semaphore, #tpu.memory_space<semaphore_mem>>) src(%dma_wait3A_91 : memref<4096xi32, #tpu.memory_space<hbm>>) dst(%arg8 : memref<4096xi32, #tpu.memory_space<vmem>>)
        %ge3A_92 = arith.constant 2 : i32
        %ge3A_93 = arith.cmpi sge, %add3A_62, %ge3A_92 : i32
        %convert_element_type3A_94 = arith.extui %ge3A_93 : i1 to i32
        %cond3A_95 = arith.constant 0 : i32
        %cond3A_96 = arith.cmpi ne, %convert_element_type3A_94, %cond3A_95 : i32
        scf.if %cond3A_96 {
          %sub3A = arith.constant 2 : i32
          %sub3A_120 = arith.subi %add3A_62, %sub3A : i32
          %dma_wait3A_121 = arith.constant 0 : i32
          %dma_wait3A_122 = arith.constant 0 : i32
          %dma_wait3A_123 = tpu.memref_slice %arg5[%sub3A_120, %add3A_29, %dma_wait3A_122] : memref<200x64x4096xf32, #tpu.memory_space<hbm>> -> memref<1x1x4096xf32, #tpu.memory_space<hbm>>
          %dma_wait3A_124 = tpu.memref_squeeze %dma_wait3A_123 : memref<1x1x4096xf32, #tpu.memory_space<hbm>> -> memref<4096xf32, #tpu.memory_space<hbm>>
          %dma_wait3A_125 = tpu.memref_slice %arg13[%dma_wait3A_121] : memref<2x!tpu.dma_semaphore, #tpu.memory_space<semaphore_mem>> -> memref<1x!tpu.dma_semaphore, #tpu.memory_space<semaphore_mem>>
          %dma_wait3A_126 = tpu.memref_squeeze %dma_wait3A_125 : memref<1x!tpu.dma_semaphore, #tpu.memory_space<semaphore_mem>> -> memref<!tpu.dma_semaphore, #tpu.memory_space<semaphore_mem>>
          %dma_wait3A_127 = arith.constant 0 : i32
          %dma_wait3A_128 = tpu.memref_slice %arg5[%sub3A_120, %add3A_29, %dma_wait3A_127] : memref<200x64x4096xf32, #tpu.memory_space<hbm>> -> memref<1x1x4096xf32, #tpu.memory_space<hbm>>
          %dma_wait3A_129 = tpu.memref_squeeze %dma_wait3A_128 : memref<1x1x4096xf32, #tpu.memory_space<hbm>> -> memref<4096xf32, #tpu.memory_space<hbm>>
          tpu.wait_dma2 semaphore(%dma_wait3A_126 : memref<!tpu.dma_semaphore, #tpu.memory_space<semaphore_mem>>) src(%arg10 : memref<4096xf32, #tpu.memory_space<vmem>>) dst(%dma_wait3A_129 : memref<4096xf32, #tpu.memory_space<hbm>>)
        } else {
        }
        %broadcast_in_dim3A = vector.broadcast %add3A_62 : i32 to vector<16xi32>
        %gather3A = tpu.vector_load_idx %arg7[%broadcast_in_dim3A] : memref<256xf32, #tpu.memory_space<vmem>>[vector<16xi32>], vector<16xf32>,
        %scan3A_97 = arith.constant 0 : i32
        %scan3A_98 = arith.constant 0 : i32
        %scan3A_99 = arith.constant 16 : i32
        %scan3A_100 = arith.addi %scan3A_98, %scan3A_99 : i32
        %scan3A_101 = arith.constant 1 : i32
        %scan3A_102 = scf.for %scan3A_120 = %scan3A_98 to %scan3A_100 step %scan3A_101 iter_args(%scan3A_121 = %scan3A_97) -> (i32)  : i32 {
          %mul3A_122 = arith.constant 16 : i32
          %mul3A_123 = arith.muli %mul3A_122, %scan3A_120 : i32
          %add3A_124 = arith.constant 0 : i32
          %add3A_125 = arith.addi %mul3A_123, %add3A_124 : i32
          %mul3A_126 = arith.constant 16 : i32
          %mul3A_127 = arith.muli %add3A_125, %mul3A_126 : i32
          %mul3A_128 = arith.constant 16 : i32
          %mul3A_129 = arith.muli %mul3A_128, %scan3A_120 : i32
          %add3A_130 = arith.constant 1 : i32
          %add3A_131 = arith.addi %mul3A_129, %add3A_130 : i32
          %mul3A_132 = arith.constant 16 : i32
          %mul3A_133 = arith.muli %add3A_131, %mul3A_132 : i32
          %mul3A_134 = arith.constant 16 : i32
          %mul3A_135 = arith.muli %mul3A_134, %scan3A_120 : i32
          %add3A_136 = arith.constant 2 : i32
          %add3A_137 = arith.addi %mul3A_135, %add3A_136 : i32
          %mul3A_138 = arith.constant 16 : i32
          %mul3A_139 = arith.muli %add3A_137, %mul3A_138 : i32
          %mul3A_140 = arith.constant 16 : i32
          %mul3A_141 = arith.muli %mul3A_140, %scan3A_120 : i32
          %add3A_142 = arith.constant 3 : i32
          %add3A_143 = arith.addi %mul3A_141, %add3A_142 : i32
          %mul3A_144 = arith.constant 16 : i32
          %mul3A_145 = arith.muli %add3A_143, %mul3A_144 : i32
          %mul3A_146 = arith.constant 16 : i32
          %mul3A_147 = arith.muli %mul3A_146, %scan3A_120 : i32
          %add3A_148 = arith.constant 4 : i32
          %add3A_149 = arith.addi %mul3A_147, %add3A_148 : i32
          %mul3A_150 = arith.constant 16 : i32
          %mul3A_151 = arith.muli %add3A_149, %mul3A_150 : i32
          %mul3A_152 = arith.constant 16 : i32
          %mul3A_153 = arith.muli %mul3A_152, %scan3A_120 : i32
          %add3A_154 = arith.constant 5 : i32
          %add3A_155 = arith.addi %mul3A_153, %add3A_154 : i32
          %mul3A_156 = arith.constant 16 : i32
          %mul3A_157 = arith.muli %add3A_155, %mul3A_156 : i32
          %mul3A_158 = arith.constant 16 : i32
          %mul3A_159 = arith.muli %mul3A_158, %scan3A_120 : i32
          %add3A_160 = arith.constant 6 : i32
          %add3A_161 = arith.addi %mul3A_159, %add3A_160 : i32
          %mul3A_162 = arith.constant 16 : i32
          %mul3A_163 = arith.muli %add3A_161, %mul3A_162 : i32
          %mul3A_164 = arith.constant 16 : i32
          %mul3A_165 = arith.muli %mul3A_164, %scan3A_120 : i32
          %add3A_166 = arith.constant 7 : i32
          %add3A_167 = arith.addi %mul3A_165, %add3A_166 : i32
          %mul3A_168 = arith.constant 16 : i32
          %mul3A_169 = arith.muli %add3A_167, %mul3A_168 : i32
          %mul3A_170 = arith.constant 16 : i32
          %mul3A_171 = arith.muli %mul3A_170, %scan3A_120 : i32
          %add3A_172 = arith.constant 8 : i32
          %add3A_173 = arith.addi %mul3A_171, %add3A_172 : i32
          %mul3A_174 = arith.constant 16 : i32
          %mul3A_175 = arith.muli %add3A_173, %mul3A_174 : i32
          %mul3A_176 = arith.constant 16 : i32
          %mul3A_177 = arith.muli %mul3A_176, %scan3A_120 : i32
          %add3A_178 = arith.constant 9 : i32
          %add3A_179 = arith.addi %mul3A_177, %add3A_178 : i32
          %mul3A_180 = arith.constant 16 : i32
          %mul3A_181 = arith.muli %add3A_179, %mul3A_180 : i32
          %mul3A_182 = arith.constant 16 : i32
          %mul3A_183 = arith.muli %mul3A_182, %scan3A_120 : i32
          %add3A_184 = arith.constant 10 : i32
          %add3A_185 = arith.addi %mul3A_183, %add3A_184 : i32
          %mul3A_186 = arith.constant 16 : i32
          %mul3A_187 = arith.muli %add3A_185, %mul3A_186 : i32
          %mul3A_188 = arith.constant 16 : i32
          %mul3A_189 = arith.muli %mul3A_188, %scan3A_120 : i32
          %add3A_190 = arith.constant 11 : i32
          %add3A_191 = arith.addi %mul3A_189, %add3A_190 : i32
          %mul3A_192 = arith.constant 16 : i32
          %mul3A_193 = arith.muli %add3A_191, %mul3A_192 : i32
          %mul3A_194 = arith.constant 16 : i32
          %mul3A_195 = arith.muli %mul3A_194, %scan3A_120 : i32
          %add3A_196 = arith.constant 12 : i32
          %add3A_197 = arith.addi %mul3A_195, %add3A_196 : i32
          %mul3A_198 = arith.constant 16 : i32
          %mul3A_199 = arith.muli %add3A_197, %mul3A_198 : i32
          %mul3A_200 = arith.constant 16 : i32
          %mul3A_201 = arith.muli %mul3A_200, %scan3A_120 : i32
          %add3A_202 = arith.constant 13 : i32
          %add3A_203 = arith.addi %mul3A_201, %add3A_202 : i32
          %mul3A_204 = arith.constant 16 : i32
          %mul3A_205 = arith.muli %add3A_203, %mul3A_204 : i32
          %mul3A_206 = arith.constant 16 : i32
          %mul3A_207 = arith.muli %mul3A_206, %scan3A_120 : i32
          %add3A_208 = arith.constant 14 : i32
          %add3A_209 = arith.addi %mul3A_207, %add3A_208 : i32
          %mul3A_210 = arith.constant 16 : i32
          %mul3A_211 = arith.muli %add3A_209, %mul3A_210 : i32
          %mul3A_212 = arith.constant 16 : i32
          %mul3A_213 = arith.muli %mul3A_212, %scan3A_120 : i32
          %add3A_214 = arith.constant 15 : i32
          %add3A_215 = arith.addi %mul3A_213, %add3A_214 : i32
          %mul3A_216 = arith.constant 16 : i32
          %mul3A_217 = arith.muli %add3A_215, %mul3A_216 : i32
          %get3A = arith.index_cast %mul3A_127 : i32 to index
          %get3A_218 = tpu.vector_load %arg8[%get3A] {strides = array<i32>} : memref<4096xi32, #tpu.memory_space<vmem>>, vector<16xi32>,
          %get3A_219 = arith.index_cast %mul3A_133 : i32 to index
          %get3A_220 = tpu.vector_load %arg8[%get3A_219] {strides = array<i32>} : memref<4096xi32, #tpu.memory_space<vmem>>, vector<16xi32>,
          %get3A_221 = arith.index_cast %mul3A_139 : i32 to index
          %get3A_222 = tpu.vector_load %arg8[%get3A_221] {strides = array<i32>} : memref<4096xi32, #tpu.memory_space<vmem>>, vector<16xi32>,
          %get3A_223 = arith.index_cast %mul3A_145 : i32 to index
          %get3A_224 = tpu.vector_load %arg8[%get3A_223] {strides = array<i32>} : memref<4096xi32, #tpu.memory_space<vmem>>, vector<16xi32>,
          %get3A_225 = arith.index_cast %mul3A_151 : i32 to index
          %get3A_226 = tpu.vector_load %arg8[%get3A_225] {strides = array<i32>} : memref<4096xi32, #tpu.memory_space<vmem>>, vector<16xi32>,
          %get3A_227 = arith.index_cast %mul3A_157 : i32 to index
          %get3A_228 = tpu.vector_load %arg8[%get3A_227] {strides = array<i32>} : memref<4096xi32, #tpu.memory_space<vmem>>, vector<16xi32>,
          %get3A_229 = arith.index_cast %mul3A_163 : i32 to index
          %get3A_230 = tpu.vector_load %arg8[%get3A_229] {strides = array<i32>} : memref<4096xi32, #tpu.memory_space<vmem>>, vector<16xi32>,
          %get3A_231 = arith.index_cast %mul3A_169 : i32 to index
          %get3A_232 = tpu.vector_load %arg8[%get3A_231] {strides = array<i32>} : memref<4096xi32, #tpu.memory_space<vmem>>, vector<16xi32>,
          %get3A_233 = arith.index_cast %mul3A_175 : i32 to index
          %get3A_234 = tpu.vector_load %arg8[%get3A_233] {strides = array<i32>} : memref<4096xi32, #tpu.memory_space<vmem>>, vector<16xi32>,
          %get3A_235 = arith.index_cast %mul3A_181 : i32 to index
          %get3A_236 = tpu.vector_load %arg8[%get3A_235] {strides = array<i32>} : memref<4096xi32, #tpu.memory_space<vmem>>, vector<16xi32>,
          %get3A_237 = arith.index_cast %mul3A_187 : i32 to index
          %get3A_238 = tpu.vector_load %arg8[%get3A_237] {strides = array<i32>} : memref<4096xi32, #tpu.memory_space<vmem>>, vector<16xi32>,
          %get3A_239 = arith.index_cast %mul3A_193 : i32 to index
          %get3A_240 = tpu.vector_load %arg8[%get3A_239] {strides = array<i32>} : memref<4096xi32, #tpu.memory_space<vmem>>, vector<16xi32>,
          %get3A_241 = arith.index_cast %mul3A_199 : i32 to index
          %get3A_242 = tpu.vector_load %arg8[%get3A_241] {strides = array<i32>} : memref<4096xi32, #tpu.memory_space<vmem>>, vector<16xi32>,
          %get3A_243 = arith.index_cast %mul3A_205 : i32 to index
          %get3A_244 = tpu.vector_load %arg8[%get3A_243] {strides = array<i32>} : memref<4096xi32, #tpu.memory_space<vmem>>, vector<16xi32>,
          %get3A_245 = arith.index_cast %mul3A_211 : i32 to index
          %get3A_246 = tpu.vector_load %arg8[%get3A_245] {strides = array<i32>} : memref<4096xi32, #tpu.memory_space<vmem>>, vector<16xi32>,
          %get3A_247 = arith.index_cast %mul3A_217 : i32 to index
          %get3A_248 = tpu.vector_load %arg8[%get3A_247] {strides = array<i32>} : memref<4096xi32, #tpu.memory_space<vmem>>, vector<16xi32>,
          %gather3A_249 = tpu.vector_load_idx %arg6[%get3A_218] : memref<100000xf32, #tpu.memory_space<vmem>>[vector<16xi32>], vector<16xf32>,
          %gather3A_250 = tpu.vector_load_idx %arg6[%get3A_220] : memref<100000xf32, #tpu.memory_space<vmem>>[vector<16xi32>], vector<16xf32>,
          %gather3A_251 = tpu.vector_load_idx %arg6[%get3A_222] : memref<100000xf32, #tpu.memory_space<vmem>>[vector<16xi32>], vector<16xf32>,
          %gather3A_252 = tpu.vector_load_idx %arg6[%get3A_224] : memref<100000xf32, #tpu.memory_space<vmem>>[vector<16xi32>], vector<16xf32>,
          %gather3A_253 = tpu.vector_load_idx %arg6[%get3A_226] : memref<100000xf32, #tpu.memory_space<vmem>>[vector<16xi32>], vector<16xf32>,
          %gather3A_254 = tpu.vector_load_idx %arg6[%get3A_228] : memref<100000xf32, #tpu.memory_space<vmem>>[vector<16xi32>], vector<16xf32>,
          %gather3A_255 = tpu.vector_load_idx %arg6[%get3A_230] : memref<100000xf32, #tpu.memory_space<vmem>>[vector<16xi32>], vector<16xf32>,
          %gather3A_256 = tpu.vector_load_idx %arg6[%get3A_232] : memref<100000xf32, #tpu.memory_space<vmem>>[vector<16xi32>], vector<16xf32>,
          %gather3A_257 = tpu.vector_load_idx %arg6[%get3A_234] : memref<100000xf32, #tpu.memory_space<vmem>>[vector<16xi32>], vector<16xf32>,
          %gather3A_258 = tpu.vector_load_idx %arg6[%get3A_236] : memref<100000xf32, #tpu.memory_space<vmem>>[vector<16xi32>], vector<16xf32>,
          %gather3A_259 = tpu.vector_load_idx %arg6[%get3A_238] : memref<100000xf32, #tpu.memory_space<vmem>>[vector<16xi32>], vector<16xf32>,
          %gather3A_260 = tpu.vector_load_idx %arg6[%get3A_240] : memref<100000xf32, #tpu.memory_space<vmem>>[vector<16xi32>], vector<16xf32>,
          %gather3A_261 = tpu.vector_load_idx %arg6[%get3A_242] : memref<100000xf32, #tpu.memory_space<vmem>>[vector<16xi32>], vector<16xf32>,
          %gather3A_262 = tpu.vector_load_idx %arg6[%get3A_244] : memref<100000xf32, #tpu.memory_space<vmem>>[vector<16xi32>], vector<16xf32>,
          %gather3A_263 = tpu.vector_load_idx %arg6[%get3A_246] : memref<100000xf32, #tpu.memory_space<vmem>>[vector<16xi32>], vector<16xf32>,
          %gather3A_264 = tpu.vector_load_idx %arg6[%get3A_248] : memref<100000xf32, #tpu.memory_space<vmem>>[vector<16xi32>], vector<16xf32>,
          %add3A_265 = arith.addf %gather3A_249, %gather3A : vector<16xf32>
          %swap3A = arith.index_cast %mul3A_127 : i32 to index
          %swap3A_266 = tpu.vector_load %arg10[%swap3A] {strides = array<i32>} : memref<4096xf32, #tpu.memory_space<vmem>>, vector<16xf32>,
          tpu.vector_store %arg10[%swap3A], %add3A_265 {strides = array<i32>} : memref<4096xf32, #tpu.memory_space<vmem>>, vector<16xf32>,
          %add3A_267 = arith.addf %gather3A_250, %gather3A : vector<16xf32>
          %swap3A_268 = arith.index_cast %mul3A_133 : i32 to index
          %swap3A_269 = tpu.vector_load %arg10[%swap3A_268] {strides = array<i32>} : memref<4096xf32, #tpu.memory_space<vmem>>, vector<16xf32>,
          tpu.vector_store %arg10[%swap3A_268], %add3A_267 {strides = array<i32>} : memref<4096xf32, #tpu.memory_space<vmem>>, vector<16xf32>,
          %add3A_270 = arith.addf %gather3A_251, %gather3A : vector<16xf32>
          %swap3A_271 = arith.index_cast %mul3A_139 : i32 to index
          %swap3A_272 = tpu.vector_load %arg10[%swap3A_271] {strides = array<i32>} : memref<4096xf32, #tpu.memory_space<vmem>>, vector<16xf32>,
          tpu.vector_store %arg10[%swap3A_271], %add3A_270 {strides = array<i32>} : memref<4096xf32, #tpu.memory_space<vmem>>, vector<16xf32>,
          %add3A_273 = arith.addf %gather3A_252, %gather3A : vector<16xf32>
          %swap3A_274 = arith.index_cast %mul3A_145 : i32 to index
          %swap3A_275 = tpu.vector_load %arg10[%swap3A_274] {strides = array<i32>} : memref<4096xf32, #tpu.memory_space<vmem>>, vector<16xf32>,
          tpu.vector_store %arg10[%swap3A_274], %add3A_273 {strides = array<i32>} : memref<4096xf32, #tpu.memory_space<vmem>>, vector<16xf32>,
          %add3A_276 = arith.addf %gather3A_253, %gather3A : vector<16xf32>
          %swap3A_277 = arith.index_cast %mul3A_151 : i32 to index
          %swap3A_278 = tpu.vector_load %arg10[%swap3A_277] {strides = array<i32>} : memref<4096xf32, #tpu.memory_space<vmem>>, vector<16xf32>,
          tpu.vector_store %arg10[%swap3A_277], %add3A_276 {strides = array<i32>} : memref<4096xf32, #tpu.memory_space<vmem>>, vector<16xf32>,
          %add3A_279 = arith.addf %gather3A_254, %gather3A : vector<16xf32>
          %swap3A_280 = arith.index_cast %mul3A_157 : i32 to index
          %swap3A_281 = tpu.vector_load %arg10[%swap3A_280] {strides = array<i32>} : memref<4096xf32, #tpu.memory_space<vmem>>, vector<16xf32>,
          tpu.vector_store %arg10[%swap3A_280], %add3A_279 {strides = array<i32>} : memref<4096xf32, #tpu.memory_space<vmem>>, vector<16xf32>,
          %add3A_282 = arith.addf %gather3A_255, %gather3A : vector<16xf32>
          %swap3A_283 = arith.index_cast %mul3A_163 : i32 to index
          %swap3A_284 = tpu.vector_load %arg10[%swap3A_283] {strides = array<i32>} : memref<4096xf32, #tpu.memory_space<vmem>>, vector<16xf32>,
          tpu.vector_store %arg10[%swap3A_283], %add3A_282 {strides = array<i32>} : memref<4096xf32, #tpu.memory_space<vmem>>, vector<16xf32>,
          %add3A_285 = arith.addf %gather3A_256, %gather3A : vector<16xf32>
          %swap3A_286 = arith.index_cast %mul3A_169 : i32 to index
          %swap3A_287 = tpu.vector_load %arg10[%swap3A_286] {strides = array<i32>} : memref<4096xf32, #tpu.memory_space<vmem>>, vector<16xf32>,
          tpu.vector_store %arg10[%swap3A_286], %add3A_285 {strides = array<i32>} : memref<4096xf32, #tpu.memory_space<vmem>>, vector<16xf32>,
          %add3A_288 = arith.addf %gather3A_257, %gather3A : vector<16xf32>
          %swap3A_289 = arith.index_cast %mul3A_175 : i32 to index
          %swap3A_290 = tpu.vector_load %arg10[%swap3A_289] {strides = array<i32>} : memref<4096xf32, #tpu.memory_space<vmem>>, vector<16xf32>,
          tpu.vector_store %arg10[%swap3A_289], %add3A_288 {strides = array<i32>} : memref<4096xf32, #tpu.memory_space<vmem>>, vector<16xf32>,
          %add3A_291 = arith.addf %gather3A_258, %gather3A : vector<16xf32>
          %swap3A_292 = arith.index_cast %mul3A_181 : i32 to index
          %swap3A_293 = tpu.vector_load %arg10[%swap3A_292] {strides = array<i32>} : memref<4096xf32, #tpu.memory_space<vmem>>, vector<16xf32>,
          tpu.vector_store %arg10[%swap3A_292], %add3A_291 {strides = array<i32>} : memref<4096xf32, #tpu.memory_space<vmem>>, vector<16xf32>,
          %add3A_294 = arith.addf %gather3A_259, %gather3A : vector<16xf32>
          %swap3A_295 = arith.index_cast %mul3A_187 : i32 to index
          %swap3A_296 = tpu.vector_load %arg10[%swap3A_295] {strides = array<i32>} : memref<4096xf32, #tpu.memory_space<vmem>>, vector<16xf32>,
          tpu.vector_store %arg10[%swap3A_295], %add3A_294 {strides = array<i32>} : memref<4096xf32, #tpu.memory_space<vmem>>, vector<16xf32>,
          %add3A_297 = arith.addf %gather3A_260, %gather3A : vector<16xf32>
          %swap3A_298 = arith.index_cast %mul3A_193 : i32 to index
          %swap3A_299 = tpu.vector_load %arg10[%swap3A_298] {strides = array<i32>} : memref<4096xf32, #tpu.memory_space<vmem>>, vector<16xf32>,
          tpu.vector_store %arg10[%swap3A_298], %add3A_297 {strides = array<i32>} : memref<4096xf32, #tpu.memory_space<vmem>>, vector<16xf32>,
          %add3A_300 = arith.addf %gather3A_261, %gather3A : vector<16xf32>
          %swap3A_301 = arith.index_cast %mul3A_199 : i32 to index
          %swap3A_302 = tpu.vector_load %arg10[%swap3A_301] {strides = array<i32>} : memref<4096xf32, #tpu.memory_space<vmem>>, vector<16xf32>,
          tpu.vector_store %arg10[%swap3A_301], %add3A_300 {strides = array<i32>} : memref<4096xf32, #tpu.memory_space<vmem>>, vector<16xf32>,
          %add3A_303 = arith.addf %gather3A_262, %gather3A : vector<16xf32>
          %swap3A_304 = arith.index_cast %mul3A_205 : i32 to index
          %swap3A_305 = tpu.vector_load %arg10[%swap3A_304] {strides = array<i32>} : memref<4096xf32, #tpu.memory_space<vmem>>, vector<16xf32>,
          tpu.vector_store %arg10[%swap3A_304], %add3A_303 {strides = array<i32>} : memref<4096xf32, #tpu.memory_space<vmem>>, vector<16xf32>,
          %add3A_306 = arith.addf %gather3A_263, %gather3A : vector<16xf32>
          %swap3A_307 = arith.index_cast %mul3A_211 : i32 to index
          %swap3A_308 = tpu.vector_load %arg10[%swap3A_307] {strides = array<i32>} : memref<4096xf32, #tpu.memory_space<vmem>>, vector<16xf32>,
          tpu.vector_store %arg10[%swap3A_307], %add3A_306 {strides = array<i32>} : memref<4096xf32, #tpu.memory_space<vmem>>, vector<16xf32>,
          %add3A_309 = arith.addf %gather3A_264, %gather3A : vector<16xf32>
          %swap3A_310 = arith.index_cast %mul3A_217 : i32 to index
          %swap3A_311 = tpu.vector_load %arg10[%swap3A_310] {strides = array<i32>} : memref<4096xf32, #tpu.memory_space<vmem>>, vector<16xf32>,
          tpu.vector_store %arg10[%swap3A_310], %add3A_309 {strides = array<i32>} : memref<4096xf32, #tpu.memory_space<vmem>>, vector<16xf32>,
          %scan3A_312 = arith.constant 0 : i32
          scf.yield %scan3A_312 : i32
        }
        %scan3A_103 = arith.constant 16 : i32
        %dma_start3A_104 = arith.constant 0 : i32
        %dma_start3A_105 = arith.constant 0 : i32
        %dma_start3A_106 = tpu.memref_slice %arg5[%add3A_62, %add3A_29, %dma_start3A_105] : memref<200x64x4096xf32, #tpu.memory_space<hbm>> -> memref<1x1x4096xf32, #tpu.memory_space<hbm>>
        %dma_start3A_107 = tpu.memref_squeeze %dma_start3A_106 : memref<1x1x4096xf32, #tpu.memory_space<hbm>> -> memref<4096xf32, #tpu.memory_space<hbm>>
        %dma_start3A_108 = tpu.memref_slice %arg13[%dma_start3A_104] : memref<2x!tpu.dma_semaphore, #tpu.memory_space<semaphore_mem>> -> memref<1x!tpu.dma_semaphore, #tpu.memory_space<semaphore_mem>>
        %dma_start3A_109 = tpu.memref_squeeze %dma_start3A_108 : memref<1x!tpu.dma_semaphore, #tpu.memory_space<semaphore_mem>> -> memref<!tpu.dma_semaphore, #tpu.memory_space<semaphore_mem>>
        %dma_start3A_110 = arith.constant 0 : i32
        %dma_start3A_111 = tpu.memref_slice %arg5[%add3A_62, %add3A_29, %dma_start3A_110] : memref<200x64x4096xf32, #tpu.memory_space<hbm>> -> memref<1x1x4096xf32, #tpu.memory_space<hbm>>
        %dma_start3A_112 = tpu.memref_squeeze %dma_start3A_111 : memref<1x1x4096xf32, #tpu.memory_space<hbm>> -> memref<4096xf32, #tpu.memory_space<hbm>>
        tpu.enqueue_dma source(%arg10 : memref<4096xf32, #tpu.memory_space<vmem>>) target(%dma_start3A_112 : memref<4096xf32, #tpu.memory_space<hbm>>) target_semaphore(%dma_start3A_109 : memref<!tpu.dma_semaphore, #tpu.memory_space<semaphore_mem>>)
        %add3A_113 = arith.constant 2 : i32
        %add3A_114 = arith.addi %add3A_62, %add3A_113 : i32
        %lt3A_115 = arith.constant 200 : i32
        %lt3A_116 = arith.cmpi slt, %add3A_114, %lt3A_115 : i32
        %convert_element_type3A_117 = arith.extui %lt3A_116 : i1 to i32
        %cond3A_118 = arith.constant 0 : i32
        %cond3A_119 = arith.cmpi ne, %convert_element_type3A_117, %cond3A_118 : i32
        scf.if %cond3A_119 {
          %add3A_120 = arith.constant 2 : i32
          %add3A_121 = arith.addi %add3A_62, %add3A_120 : i32
          %dma_start3A_122 = arith.constant 0 : i32
          %dma_start3A_123 = arith.constant 0 : i32
          %dma_start3A_124 = tpu.memref_slice %arg2[%add3A_121, %dma_start3A_123] : memref<200x4096xi32, #tpu.memory_space<hbm>> -> memref<1x4096xi32, #tpu.memory_space<hbm>>
          %dma_start3A_125 = tpu.memref_squeeze %dma_start3A_124 : memref<1x4096xi32, #tpu.memory_space<hbm>> -> memref<4096xi32, #tpu.memory_space<hbm>>
          %dma_start3A_126 = tpu.memref_slice %arg12[%dma_start3A_122] : memref<2x!tpu.dma_semaphore, #tpu.memory_space<semaphore_mem>> -> memref<1x!tpu.dma_semaphore, #tpu.memory_space<semaphore_mem>>
          %dma_start3A_127 = tpu.memref_squeeze %dma_start3A_126 : memref<1x!tpu.dma_semaphore, #tpu.memory_space<semaphore_mem>> -> memref<!tpu.dma_semaphore, #tpu.memory_space<semaphore_mem>>
          %dma_start3A_128 = arith.constant 0 : i32
          %dma_start3A_129 = tpu.memref_slice %arg2[%add3A_121, %dma_start3A_128] : memref<200x4096xi32, #tpu.memory_space<hbm>> -> memref<1x4096xi32, #tpu.memory_space<hbm>>
          %dma_start3A_130 = tpu.memref_squeeze %dma_start3A_129 : memref<1x4096xi32, #tpu.memory_space<hbm>> -> memref<4096xi32, #tpu.memory_space<hbm>>
          tpu.enqueue_dma source(%dma_start3A_130 : memref<4096xi32, #tpu.memory_space<hbm>>) target(%arg8 : memref<4096xi32, #tpu.memory_space<vmem>>) target_semaphore(%dma_start3A_127 : memref<!tpu.dma_semaphore, #tpu.memory_space<semaphore_mem>>)
        } else {
        }
      } else {
      }
      %ge3A = arith.constant 200 : i32
      %ge3A_65 = arith.cmpi sge, %add3A_62, %ge3A : i32
      %convert_element_type3A_66 = arith.extui %ge3A_65 : i1 to i32
      %cond3A_67 = arith.constant 0 : i32
      %cond3A_68 = arith.cmpi ne, %convert_element_type3A_66, %cond3A_67 : i32
      scf.if %cond3A_68 {
        %sub3A = arith.constant 2 : i32
        %sub3A_84 = arith.subi %add3A_62, %sub3A : i32
        %dma_wait3A = arith.constant 0 : i32
        %dma_wait3A_85 = arith.constant 0 : i32
        %dma_wait3A_86 = tpu.memref_slice %arg5[%sub3A_84, %add3A_29, %dma_wait3A_85] : memref<200x64x4096xf32, #tpu.memory_space<hbm>> -> memref<1x1x4096xf32, #tpu.memory_space<hbm>>
        %dma_wait3A_87 = tpu.memref_squeeze %dma_wait3A_86 : memref<1x1x4096xf32, #tpu.memory_space<hbm>> -> memref<4096xf32, #tpu.memory_space<hbm>>
        %dma_wait3A_88 = tpu.memref_slice %arg13[%dma_wait3A] : memref<2x!tpu.dma_semaphore, #tpu.memory_space<semaphore_mem>> -> memref<1x!tpu.dma_semaphore, #tpu.memory_space<semaphore_mem>>
        %dma_wait3A_89 = tpu.memref_squeeze %dma_wait3A_88 : memref<1x!tpu.dma_semaphore, #tpu.memory_space<semaphore_mem>> -> memref<!tpu.dma_semaphore, #tpu.memory_space<semaphore_mem>>
        %dma_wait3A_90 = arith.constant 0 : i32
        %dma_wait3A_91 = tpu.memref_slice %arg5[%sub3A_84, %add3A_29, %dma_wait3A_90] : memref<200x64x4096xf32, #tpu.memory_space<hbm>> -> memref<1x1x4096xf32, #tpu.memory_space<hbm>>
        %dma_wait3A_92 = tpu.memref_squeeze %dma_wait3A_91 : memref<1x1x4096xf32, #tpu.memory_space<hbm>> -> memref<4096xf32, #tpu.memory_space<hbm>>
        tpu.wait_dma2 semaphore(%dma_wait3A_89 : memref<!tpu.dma_semaphore, #tpu.memory_space<semaphore_mem>>) src(%arg10 : memref<4096xf32, #tpu.memory_space<vmem>>) dst(%dma_wait3A_92 : memref<4096xf32, #tpu.memory_space<hbm>>)
      } else {
      }
      %mul3A_69 = arith.constant 2 : i32
      %mul3A_70 = arith.muli %mul3A_69, %scan3A_57 : i32
      %add3A_71 = arith.constant 1 : i32
      %add3A_72 = arith.addi %mul3A_70, %add3A_71 : i32
      %lt3A_73 = arith.constant 200 : i32
      %lt3A_74 = arith.cmpi slt, %add3A_72, %lt3A_73 : i32
      %convert_element_type3A_75 = arith.extui %lt3A_74 : i1 to i32
      %cond3A_76 = arith.constant 0 : i32
      %cond3A_77 = arith.cmpi ne, %convert_element_type3A_75, %cond3A_76 : i32
      scf.if %cond3A_77 {
        %dma_wait3A = arith.constant 1 : i32
        %dma_wait3A_84 = arith.constant 0 : i32
        %dma_wait3A_85 = tpu.memref_slice %arg2[%add3A_72, %dma_wait3A_84] : memref<200x4096xi32, #tpu.memory_space<hbm>> -> memref<1x4096xi32, #tpu.memory_space<hbm>>
        %dma_wait3A_86 = tpu.memref_squeeze %dma_wait3A_85 : memref<1x4096xi32, #tpu.memory_space<hbm>> -> memref<4096xi32, #tpu.memory_space<hbm>>
        %dma_wait3A_87 = tpu.memref_slice %arg12[%dma_wait3A] : memref<2x!tpu.dma_semaphore, #tpu.memory_space<semaphore_mem>> -> memref<1x!tpu.dma_semaphore, #tpu.memory_space<semaphore_mem>>
        %dma_wait3A_88 = tpu.memref_squeeze %dma_wait3A_87 : memref<1x!tpu.dma_semaphore, #tpu.memory_space<semaphore_mem>> -> memref<!tpu.dma_semaphore, #tpu.memory_space<semaphore_mem>>
        %dma_wait3A_89 = arith.constant 0 : i32
        %dma_wait3A_90 = tpu.memref_slice %arg2[%add3A_72, %dma_wait3A_89] : memref<200x4096xi32, #tpu.memory_space<hbm>> -> memref<1x4096xi32, #tpu.memory_space<hbm>>
        %dma_wait3A_91 = tpu.memref_squeeze %dma_wait3A_90 : memref<1x4096xi32, #tpu.memory_space<hbm>> -> memref<4096xi32, #tpu.memory_space<hbm>>
        tpu.wait_dma2 semaphore(%dma_wait3A_88 : memref<!tpu.dma_semaphore, #tpu.memory_space<semaphore_mem>>) src(%dma_wait3A_91 : memref<4096xi32, #tpu.memory_space<hbm>>) dst(%arg9 : memref<4096xi32, #tpu.memory_space<vmem>>)
        %ge3A_92 = arith.constant 2 : i32
        %ge3A_93 = arith.cmpi sge, %add3A_72, %ge3A_92 : i32
        %convert_element_type3A_94 = arith.extui %ge3A_93 : i1 to i32
        %cond3A_95 = arith.constant 0 : i32
        %cond3A_96 = arith.cmpi ne, %convert_element_type3A_94, %cond3A_95 : i32
        scf.if %cond3A_96 {
          %sub3A = arith.constant 2 : i32
          %sub3A_120 = arith.subi %add3A_72, %sub3A : i32
          %dma_wait3A_121 = arith.constant 1 : i32
          %dma_wait3A_122 = arith.constant 0 : i32
          %dma_wait3A_123 = tpu.memref_slice %arg5[%sub3A_120, %add3A_29, %dma_wait3A_122] : memref<200x64x4096xf32, #tpu.memory_space<hbm>> -> memref<1x1x4096xf32, #tpu.memory_space<hbm>>
          %dma_wait3A_124 = tpu.memref_squeeze %dma_wait3A_123 : memref<1x1x4096xf32, #tpu.memory_space<hbm>> -> memref<4096xf32, #tpu.memory_space<hbm>>
          %dma_wait3A_125 = tpu.memref_slice %arg13[%dma_wait3A_121] : memref<2x!tpu.dma_semaphore, #tpu.memory_space<semaphore_mem>> -> memref<1x!tpu.dma_semaphore, #tpu.memory_space<semaphore_mem>>
          %dma_wait3A_126 = tpu.memref_squeeze %dma_wait3A_125 : memref<1x!tpu.dma_semaphore, #tpu.memory_space<semaphore_mem>> -> memref<!tpu.dma_semaphore, #tpu.memory_space<semaphore_mem>>
          %dma_wait3A_127 = arith.constant 0 : i32
          %dma_wait3A_128 = tpu.memref_slice %arg5[%sub3A_120, %add3A_29, %dma_wait3A_127] : memref<200x64x4096xf32, #tpu.memory_space<hbm>> -> memref<1x1x4096xf32, #tpu.memory_space<hbm>>
          %dma_wait3A_129 = tpu.memref_squeeze %dma_wait3A_128 : memref<1x1x4096xf32, #tpu.memory_space<hbm>> -> memref<4096xf32, #tpu.memory_space<hbm>>
          tpu.wait_dma2 semaphore(%dma_wait3A_126 : memref<!tpu.dma_semaphore, #tpu.memory_space<semaphore_mem>>) src(%arg11 : memref<4096xf32, #tpu.memory_space<vmem>>) dst(%dma_wait3A_129 : memref<4096xf32, #tpu.memory_space<hbm>>)
        } else {
        }
        %broadcast_in_dim3A = vector.broadcast %add3A_72 : i32 to vector<16xi32>
        %gather3A = tpu.vector_load_idx %arg7[%broadcast_in_dim3A] : memref<256xf32, #tpu.memory_space<vmem>>[vector<16xi32>], vector<16xf32>,
        %scan3A_97 = arith.constant 0 : i32
        %scan3A_98 = arith.constant 0 : i32
        %scan3A_99 = arith.constant 16 : i32
        %scan3A_100 = arith.addi %scan3A_98, %scan3A_99 : i32
        %scan3A_101 = arith.constant 1 : i32
        %scan3A_102 = scf.for %scan3A_120 = %scan3A_98 to %scan3A_100 step %scan3A_101 iter_args(%scan3A_121 = %scan3A_97) -> (i32)  : i32 {
          %mul3A_122 = arith.constant 16 : i32
          %mul3A_123 = arith.muli %mul3A_122, %scan3A_120 : i32
          %add3A_124 = arith.constant 0 : i32
          %add3A_125 = arith.addi %mul3A_123, %add3A_124 : i32
          %mul3A_126 = arith.constant 16 : i32
          %mul3A_127 = arith.muli %add3A_125, %mul3A_126 : i32
          %mul3A_128 = arith.constant 16 : i32
          %mul3A_129 = arith.muli %mul3A_128, %scan3A_120 : i32
          %add3A_130 = arith.constant 1 : i32
          %add3A_131 = arith.addi %mul3A_129, %add3A_130 : i32
          %mul3A_132 = arith.constant 16 : i32
          %mul3A_133 = arith.muli %add3A_131, %mul3A_132 : i32
          %mul3A_134 = arith.constant 16 : i32
          %mul3A_135 = arith.muli %mul3A_134, %scan3A_120 : i32
          %add3A_136 = arith.constant 2 : i32
          %add3A_137 = arith.addi %mul3A_135, %add3A_136 : i32
          %mul3A_138 = arith.constant 16 : i32
          %mul3A_139 = arith.muli %add3A_137, %mul3A_138 : i32
          %mul3A_140 = arith.constant 16 : i32
          %mul3A_141 = arith.muli %mul3A_140, %scan3A_120 : i32
          %add3A_142 = arith.constant 3 : i32
          %add3A_143 = arith.addi %mul3A_141, %add3A_142 : i32
          %mul3A_144 = arith.constant 16 : i32
          %mul3A_145 = arith.muli %add3A_143, %mul3A_144 : i32
          %mul3A_146 = arith.constant 16 : i32
          %mul3A_147 = arith.muli %mul3A_146, %scan3A_120 : i32
          %add3A_148 = arith.constant 4 : i32
          %add3A_149 = arith.addi %mul3A_147, %add3A_148 : i32
          %mul3A_150 = arith.constant 16 : i32
          %mul3A_151 = arith.muli %add3A_149, %mul3A_150 : i32
          %mul3A_152 = arith.constant 16 : i32
          %mul3A_153 = arith.muli %mul3A_152, %scan3A_120 : i32
          %add3A_154 = arith.constant 5 : i32
          %add3A_155 = arith.addi %mul3A_153, %add3A_154 : i32
          %mul3A_156 = arith.constant 16 : i32
          %mul3A_157 = arith.muli %add3A_155, %mul3A_156 : i32
          %mul3A_158 = arith.constant 16 : i32
          %mul3A_159 = arith.muli %mul3A_158, %scan3A_120 : i32
          %add3A_160 = arith.constant 6 : i32
          %add3A_161 = arith.addi %mul3A_159, %add3A_160 : i32
          %mul3A_162 = arith.constant 16 : i32
          %mul3A_163 = arith.muli %add3A_161, %mul3A_162 : i32
          %mul3A_164 = arith.constant 16 : i32
          %mul3A_165 = arith.muli %mul3A_164, %scan3A_120 : i32
          %add3A_166 = arith.constant 7 : i32
          %add3A_167 = arith.addi %mul3A_165, %add3A_166 : i32
          %mul3A_168 = arith.constant 16 : i32
          %mul3A_169 = arith.muli %add3A_167, %mul3A_168 : i32
          %mul3A_170 = arith.constant 16 : i32
          %mul3A_171 = arith.muli %mul3A_170, %scan3A_120 : i32
          %add3A_172 = arith.constant 8 : i32
          %add3A_173 = arith.addi %mul3A_171, %add3A_172 : i32
          %mul3A_174 = arith.constant 16 : i32
          %mul3A_175 = arith.muli %add3A_173, %mul3A_174 : i32
          %mul3A_176 = arith.constant 16 : i32
          %mul3A_177 = arith.muli %mul3A_176, %scan3A_120 : i32
          %add3A_178 = arith.constant 9 : i32
          %add3A_179 = arith.addi %mul3A_177, %add3A_178 : i32
          %mul3A_180 = arith.constant 16 : i32
          %mul3A_181 = arith.muli %add3A_179, %mul3A_180 : i32
          %mul3A_182 = arith.constant 16 : i32
          %mul3A_183 = arith.muli %mul3A_182, %scan3A_120 : i32
          %add3A_184 = arith.constant 10 : i32
          %add3A_185 = arith.addi %mul3A_183, %add3A_184 : i32
          %mul3A_186 = arith.constant 16 : i32
          %mul3A_187 = arith.muli %add3A_185, %mul3A_186 : i32
          %mul3A_188 = arith.constant 16 : i32
          %mul3A_189 = arith.muli %mul3A_188, %scan3A_120 : i32
          %add3A_190 = arith.constant 11 : i32
          %add3A_191 = arith.addi %mul3A_189, %add3A_190 : i32
          %mul3A_192 = arith.constant 16 : i32
          %mul3A_193 = arith.muli %add3A_191, %mul3A_192 : i32
          %mul3A_194 = arith.constant 16 : i32
          %mul3A_195 = arith.muli %mul3A_194, %scan3A_120 : i32
          %add3A_196 = arith.constant 12 : i32
          %add3A_197 = arith.addi %mul3A_195, %add3A_196 : i32
          %mul3A_198 = arith.constant 16 : i32
          %mul3A_199 = arith.muli %add3A_197, %mul3A_198 : i32
          %mul3A_200 = arith.constant 16 : i32
          %mul3A_201 = arith.muli %mul3A_200, %scan3A_120 : i32
          %add3A_202 = arith.constant 13 : i32
          %add3A_203 = arith.addi %mul3A_201, %add3A_202 : i32
          %mul3A_204 = arith.constant 16 : i32
          %mul3A_205 = arith.muli %add3A_203, %mul3A_204 : i32
          %mul3A_206 = arith.constant 16 : i32
          %mul3A_207 = arith.muli %mul3A_206, %scan3A_120 : i32
          %add3A_208 = arith.constant 14 : i32
          %add3A_209 = arith.addi %mul3A_207, %add3A_208 : i32
          %mul3A_210 = arith.constant 16 : i32
          %mul3A_211 = arith.muli %add3A_209, %mul3A_210 : i32
          %mul3A_212 = arith.constant 16 : i32
          %mul3A_213 = arith.muli %mul3A_212, %scan3A_120 : i32
          %add3A_214 = arith.constant 15 : i32
          %add3A_215 = arith.addi %mul3A_213, %add3A_214 : i32
          %mul3A_216 = arith.constant 16 : i32
          %mul3A_217 = arith.muli %add3A_215, %mul3A_216 : i32
          %get3A = arith.index_cast %mul3A_127 : i32 to index
          %get3A_218 = tpu.vector_load %arg9[%get3A] {strides = array<i32>} : memref<4096xi32, #tpu.memory_space<vmem>>, vector<16xi32>,
          %get3A_219 = arith.index_cast %mul3A_133 : i32 to index
          %get3A_220 = tpu.vector_load %arg9[%get3A_219] {strides = array<i32>} : memref<4096xi32, #tpu.memory_space<vmem>>, vector<16xi32>,
          %get3A_221 = arith.index_cast %mul3A_139 : i32 to index
          %get3A_222 = tpu.vector_load %arg9[%get3A_221] {strides = array<i32>} : memref<4096xi32, #tpu.memory_space<vmem>>, vector<16xi32>,
          %get3A_223 = arith.index_cast %mul3A_145 : i32 to index
          %get3A_224 = tpu.vector_load %arg9[%get3A_223] {strides = array<i32>} : memref<4096xi32, #tpu.memory_space<vmem>>, vector<16xi32>,
          %get3A_225 = arith.index_cast %mul3A_151 : i32 to index
          %get3A_226 = tpu.vector_load %arg9[%get3A_225] {strides = array<i32>} : memref<4096xi32, #tpu.memory_space<vmem>>, vector<16xi32>,
          %get3A_227 = arith.index_cast %mul3A_157 : i32 to index
          %get3A_228 = tpu.vector_load %arg9[%get3A_227] {strides = array<i32>} : memref<4096xi32, #tpu.memory_space<vmem>>, vector<16xi32>,
          %get3A_229 = arith.index_cast %mul3A_163 : i32 to index
          %get3A_230 = tpu.vector_load %arg9[%get3A_229] {strides = array<i32>} : memref<4096xi32, #tpu.memory_space<vmem>>, vector<16xi32>,
          %get3A_231 = arith.index_cast %mul3A_169 : i32 to index
          %get3A_232 = tpu.vector_load %arg9[%get3A_231] {strides = array<i32>} : memref<4096xi32, #tpu.memory_space<vmem>>, vector<16xi32>,
          %get3A_233 = arith.index_cast %mul3A_175 : i32 to index
          %get3A_234 = tpu.vector_load %arg9[%get3A_233] {strides = array<i32>} : memref<4096xi32, #tpu.memory_space<vmem>>, vector<16xi32>,
          %get3A_235 = arith.index_cast %mul3A_181 : i32 to index
          %get3A_236 = tpu.vector_load %arg9[%get3A_235] {strides = array<i32>} : memref<4096xi32, #tpu.memory_space<vmem>>, vector<16xi32>,
          %get3A_237 = arith.index_cast %mul3A_187 : i32 to index
          %get3A_238 = tpu.vector_load %arg9[%get3A_237] {strides = array<i32>} : memref<4096xi32, #tpu.memory_space<vmem>>, vector<16xi32>,
          %get3A_239 = arith.index_cast %mul3A_193 : i32 to index
          %get3A_240 = tpu.vector_load %arg9[%get3A_239] {strides = array<i32>} : memref<4096xi32, #tpu.memory_space<vmem>>, vector<16xi32>,
          %get3A_241 = arith.index_cast %mul3A_199 : i32 to index
          %get3A_242 = tpu.vector_load %arg9[%get3A_241] {strides = array<i32>} : memref<4096xi32, #tpu.memory_space<vmem>>, vector<16xi32>,
          %get3A_243 = arith.index_cast %mul3A_205 : i32 to index
          %get3A_244 = tpu.vector_load %arg9[%get3A_243] {strides = array<i32>} : memref<4096xi32, #tpu.memory_space<vmem>>, vector<16xi32>,
          %get3A_245 = arith.index_cast %mul3A_211 : i32 to index
          %get3A_246 = tpu.vector_load %arg9[%get3A_245] {strides = array<i32>} : memref<4096xi32, #tpu.memory_space<vmem>>, vector<16xi32>,
          %get3A_247 = arith.index_cast %mul3A_217 : i32 to index
          %get3A_248 = tpu.vector_load %arg9[%get3A_247] {strides = array<i32>} : memref<4096xi32, #tpu.memory_space<vmem>>, vector<16xi32>,
          %gather3A_249 = tpu.vector_load_idx %arg6[%get3A_218] : memref<100000xf32, #tpu.memory_space<vmem>>[vector<16xi32>], vector<16xf32>,
          %gather3A_250 = tpu.vector_load_idx %arg6[%get3A_220] : memref<100000xf32, #tpu.memory_space<vmem>>[vector<16xi32>], vector<16xf32>,
          %gather3A_251 = tpu.vector_load_idx %arg6[%get3A_222] : memref<100000xf32, #tpu.memory_space<vmem>>[vector<16xi32>], vector<16xf32>,
          %gather3A_252 = tpu.vector_load_idx %arg6[%get3A_224] : memref<100000xf32, #tpu.memory_space<vmem>>[vector<16xi32>], vector<16xf32>,
          %gather3A_253 = tpu.vector_load_idx %arg6[%get3A_226] : memref<100000xf32, #tpu.memory_space<vmem>>[vector<16xi32>], vector<16xf32>,
          %gather3A_254 = tpu.vector_load_idx %arg6[%get3A_228] : memref<100000xf32, #tpu.memory_space<vmem>>[vector<16xi32>], vector<16xf32>,
          %gather3A_255 = tpu.vector_load_idx %arg6[%get3A_230] : memref<100000xf32, #tpu.memory_space<vmem>>[vector<16xi32>], vector<16xf32>,
          %gather3A_256 = tpu.vector_load_idx %arg6[%get3A_232] : memref<100000xf32, #tpu.memory_space<vmem>>[vector<16xi32>], vector<16xf32>,
          %gather3A_257 = tpu.vector_load_idx %arg6[%get3A_234] : memref<100000xf32, #tpu.memory_space<vmem>>[vector<16xi32>], vector<16xf32>,
          %gather3A_258 = tpu.vector_load_idx %arg6[%get3A_236] : memref<100000xf32, #tpu.memory_space<vmem>>[vector<16xi32>], vector<16xf32>,
          %gather3A_259 = tpu.vector_load_idx %arg6[%get3A_238] : memref<100000xf32, #tpu.memory_space<vmem>>[vector<16xi32>], vector<16xf32>,
          %gather3A_260 = tpu.vector_load_idx %arg6[%get3A_240] : memref<100000xf32, #tpu.memory_space<vmem>>[vector<16xi32>], vector<16xf32>,
          %gather3A_261 = tpu.vector_load_idx %arg6[%get3A_242] : memref<100000xf32, #tpu.memory_space<vmem>>[vector<16xi32>], vector<16xf32>,
          %gather3A_262 = tpu.vector_load_idx %arg6[%get3A_244] : memref<100000xf32, #tpu.memory_space<vmem>>[vector<16xi32>], vector<16xf32>,
          %gather3A_263 = tpu.vector_load_idx %arg6[%get3A_246] : memref<100000xf32, #tpu.memory_space<vmem>>[vector<16xi32>], vector<16xf32>,
          %gather3A_264 = tpu.vector_load_idx %arg6[%get3A_248] : memref<100000xf32, #tpu.memory_space<vmem>>[vector<16xi32>], vector<16xf32>,
          %add3A_265 = arith.addf %gather3A_249, %gather3A : vector<16xf32>
          %swap3A = arith.index_cast %mul3A_127 : i32 to index
          %swap3A_266 = tpu.vector_load %arg11[%swap3A] {strides = array<i32>} : memref<4096xf32, #tpu.memory_space<vmem>>, vector<16xf32>,
          tpu.vector_store %arg11[%swap3A], %add3A_265 {strides = array<i32>} : memref<4096xf32, #tpu.memory_space<vmem>>, vector<16xf32>,
          %add3A_267 = arith.addf %gather3A_250, %gather3A : vector<16xf32>
          %swap3A_268 = arith.index_cast %mul3A_133 : i32 to index
          %swap3A_269 = tpu.vector_load %arg11[%swap3A_268] {strides = array<i32>} : memref<4096xf32, #tpu.memory_space<vmem>>, vector<16xf32>,
          tpu.vector_store %arg11[%swap3A_268], %add3A_267 {strides = array<i32>} : memref<4096xf32, #tpu.memory_space<vmem>>, vector<16xf32>,
          %add3A_270 = arith.addf %gather3A_251, %gather3A : vector<16xf32>
          %swap3A_271 = arith.index_cast %mul3A_139 : i32 to index
          %swap3A_272 = tpu.vector_load %arg11[%swap3A_271] {strides = array<i32>} : memref<4096xf32, #tpu.memory_space<vmem>>, vector<16xf32>,
          tpu.vector_store %arg11[%swap3A_271], %add3A_270 {strides = array<i32>} : memref<4096xf32, #tpu.memory_space<vmem>>, vector<16xf32>,
          %add3A_273 = arith.addf %gather3A_252, %gather3A : vector<16xf32>
          %swap3A_274 = arith.index_cast %mul3A_145 : i32 to index
          %swap3A_275 = tpu.vector_load %arg11[%swap3A_274] {strides = array<i32>} : memref<4096xf32, #tpu.memory_space<vmem>>, vector<16xf32>,
          tpu.vector_store %arg11[%swap3A_274], %add3A_273 {strides = array<i32>} : memref<4096xf32, #tpu.memory_space<vmem>>, vector<16xf32>,
          %add3A_276 = arith.addf %gather3A_253, %gather3A : vector<16xf32>
          %swap3A_277 = arith.index_cast %mul3A_151 : i32 to index
          %swap3A_278 = tpu.vector_load %arg11[%swap3A_277] {strides = array<i32>} : memref<4096xf32, #tpu.memory_space<vmem>>, vector<16xf32>,
          tpu.vector_store %arg11[%swap3A_277], %add3A_276 {strides = array<i32>} : memref<4096xf32, #tpu.memory_space<vmem>>, vector<16xf32>,
          %add3A_279 = arith.addf %gather3A_254, %gather3A : vector<16xf32>
          %swap3A_280 = arith.index_cast %mul3A_157 : i32 to index
          %swap3A_281 = tpu.vector_load %arg11[%swap3A_280] {strides = array<i32>} : memref<4096xf32, #tpu.memory_space<vmem>>, vector<16xf32>,
          tpu.vector_store %arg11[%swap3A_280], %add3A_279 {strides = array<i32>} : memref<4096xf32, #tpu.memory_space<vmem>>, vector<16xf32>,
          %add3A_282 = arith.addf %gather3A_255, %gather3A : vector<16xf32>
          %swap3A_283 = arith.index_cast %mul3A_163 : i32 to index
          %swap3A_284 = tpu.vector_load %arg11[%swap3A_283] {strides = array<i32>} : memref<4096xf32, #tpu.memory_space<vmem>>, vector<16xf32>,
          tpu.vector_store %arg11[%swap3A_283], %add3A_282 {strides = array<i32>} : memref<4096xf32, #tpu.memory_space<vmem>>, vector<16xf32>,
          %add3A_285 = arith.addf %gather3A_256, %gather3A : vector<16xf32>
          %swap3A_286 = arith.index_cast %mul3A_169 : i32 to index
          %swap3A_287 = tpu.vector_load %arg11[%swap3A_286] {strides = array<i32>} : memref<4096xf32, #tpu.memory_space<vmem>>, vector<16xf32>,
          tpu.vector_store %arg11[%swap3A_286], %add3A_285 {strides = array<i32>} : memref<4096xf32, #tpu.memory_space<vmem>>, vector<16xf32>,
          %add3A_288 = arith.addf %gather3A_257, %gather3A : vector<16xf32>
          %swap3A_289 = arith.index_cast %mul3A_175 : i32 to index
          %swap3A_290 = tpu.vector_load %arg11[%swap3A_289] {strides = array<i32>} : memref<4096xf32, #tpu.memory_space<vmem>>, vector<16xf32>,
          tpu.vector_store %arg11[%swap3A_289], %add3A_288 {strides = array<i32>} : memref<4096xf32, #tpu.memory_space<vmem>>, vector<16xf32>,
          %add3A_291 = arith.addf %gather3A_258, %gather3A : vector<16xf32>
          %swap3A_292 = arith.index_cast %mul3A_181 : i32 to index
          %swap3A_293 = tpu.vector_load %arg11[%swap3A_292] {strides = array<i32>} : memref<4096xf32, #tpu.memory_space<vmem>>, vector<16xf32>,
          tpu.vector_store %arg11[%swap3A_292], %add3A_291 {strides = array<i32>} : memref<4096xf32, #tpu.memory_space<vmem>>, vector<16xf32>,
          %add3A_294 = arith.addf %gather3A_259, %gather3A : vector<16xf32>
          %swap3A_295 = arith.index_cast %mul3A_187 : i32 to index
          %swap3A_296 = tpu.vector_load %arg11[%swap3A_295] {strides = array<i32>} : memref<4096xf32, #tpu.memory_space<vmem>>, vector<16xf32>,
          tpu.vector_store %arg11[%swap3A_295], %add3A_294 {strides = array<i32>} : memref<4096xf32, #tpu.memory_space<vmem>>, vector<16xf32>,
          %add3A_297 = arith.addf %gather3A_260, %gather3A : vector<16xf32>
          %swap3A_298 = arith.index_cast %mul3A_193 : i32 to index
          %swap3A_299 = tpu.vector_load %arg11[%swap3A_298] {strides = array<i32>} : memref<4096xf32, #tpu.memory_space<vmem>>, vector<16xf32>,
          tpu.vector_store %arg11[%swap3A_298], %add3A_297 {strides = array<i32>} : memref<4096xf32, #tpu.memory_space<vmem>>, vector<16xf32>,
          %add3A_300 = arith.addf %gather3A_261, %gather3A : vector<16xf32>
          %swap3A_301 = arith.index_cast %mul3A_199 : i32 to index
          %swap3A_302 = tpu.vector_load %arg11[%swap3A_301] {strides = array<i32>} : memref<4096xf32, #tpu.memory_space<vmem>>, vector<16xf32>,
          tpu.vector_store %arg11[%swap3A_301], %add3A_300 {strides = array<i32>} : memref<4096xf32, #tpu.memory_space<vmem>>, vector<16xf32>,
          %add3A_303 = arith.addf %gather3A_262, %gather3A : vector<16xf32>
          %swap3A_304 = arith.index_cast %mul3A_205 : i32 to index
          %swap3A_305 = tpu.vector_load %arg11[%swap3A_304] {strides = array<i32>} : memref<4096xf32, #tpu.memory_space<vmem>>, vector<16xf32>,
          tpu.vector_store %arg11[%swap3A_304], %add3A_303 {strides = array<i32>} : memref<4096xf32, #tpu.memory_space<vmem>>, vector<16xf32>,
          %add3A_306 = arith.addf %gather3A_263, %gather3A : vector<16xf32>
          %swap3A_307 = arith.index_cast %mul3A_211 : i32 to index
          %swap3A_308 = tpu.vector_load %arg11[%swap3A_307] {strides = array<i32>} : memref<4096xf32, #tpu.memory_space<vmem>>, vector<16xf32>,
          tpu.vector_store %arg11[%swap3A_307], %add3A_306 {strides = array<i32>} : memref<4096xf32, #tpu.memory_space<vmem>>, vector<16xf32>,
          %add3A_309 = arith.addf %gather3A_264, %gather3A : vector<16xf32>
          %swap3A_310 = arith.index_cast %mul3A_217 : i32 to index
          %swap3A_311 = tpu.vector_load %arg11[%swap3A_310] {strides = array<i32>} : memref<4096xf32, #tpu.memory_space<vmem>>, vector<16xf32>,
          tpu.vector_store %arg11[%swap3A_310], %add3A_309 {strides = array<i32>} : memref<4096xf32, #tpu.memory_space<vmem>>, vector<16xf32>,
          %scan3A_312 = arith.constant 0 : i32
          scf.yield %scan3A_312 : i32
        }
        %scan3A_103 = arith.constant 16 : i32
        %dma_start3A_104 = arith.constant 1 : i32
        %dma_start3A_105 = arith.constant 0 : i32
        %dma_start3A_106 = tpu.memref_slice %arg5[%add3A_72, %add3A_29, %dma_start3A_105] : memref<200x64x4096xf32, #tpu.memory_space<hbm>> -> memref<1x1x4096xf32, #tpu.memory_space<hbm>>
        %dma_start3A_107 = tpu.memref_squeeze %dma_start3A_106 : memref<1x1x4096xf32, #tpu.memory_space<hbm>> -> memref<4096xf32, #tpu.memory_space<hbm>>
        %dma_start3A_108 = tpu.memref_slice %arg13[%dma_start3A_104] : memref<2x!tpu.dma_semaphore, #tpu.memory_space<semaphore_mem>> -> memref<1x!tpu.dma_semaphore, #tpu.memory_space<semaphore_mem>>
        %dma_start3A_109 = tpu.memref_squeeze %dma_start3A_108 : memref<1x!tpu.dma_semaphore, #tpu.memory_space<semaphore_mem>> -> memref<!tpu.dma_semaphore, #tpu.memory_space<semaphore_mem>>
        %dma_start3A_110 = arith.constant 0 : i32
        %dma_start3A_111 = tpu.memref_slice %arg5[%add3A_72, %add3A_29, %dma_start3A_110] : memref<200x64x4096xf32, #tpu.memory_space<hbm>> -> memref<1x1x4096xf32, #tpu.memory_space<hbm>>
        %dma_start3A_112 = tpu.memref_squeeze %dma_start3A_111 : memref<1x1x4096xf32, #tpu.memory_space<hbm>> -> memref<4096xf32, #tpu.memory_space<hbm>>
        tpu.enqueue_dma source(%arg11 : memref<4096xf32, #tpu.memory_space<vmem>>) target(%dma_start3A_112 : memref<4096xf32, #tpu.memory_space<hbm>>) target_semaphore(%dma_start3A_109 : memref<!tpu.dma_semaphore, #tpu.memory_space<semaphore_mem>>)
        %add3A_113 = arith.constant 2 : i32
        %add3A_114 = arith.addi %add3A_72, %add3A_113 : i32
        %lt3A_115 = arith.constant 200 : i32
        %lt3A_116 = arith.cmpi slt, %add3A_114, %lt3A_115 : i32
        %convert_element_type3A_117 = arith.extui %lt3A_116 : i1 to i32
        %cond3A_118 = arith.constant 0 : i32
        %cond3A_119 = arith.cmpi ne, %convert_element_type3A_117, %cond3A_118 : i32
        scf.if %cond3A_119 {
          %add3A_120 = arith.constant 2 : i32
          %add3A_121 = arith.addi %add3A_72, %add3A_120 : i32
          %dma_start3A_122 = arith.constant 1 : i32
          %dma_start3A_123 = arith.constant 0 : i32
          %dma_start3A_124 = tpu.memref_slice %arg2[%add3A_121, %dma_start3A_123] : memref<200x4096xi32, #tpu.memory_space<hbm>> -> memref<1x4096xi32, #tpu.memory_space<hbm>>
          %dma_start3A_125 = tpu.memref_squeeze %dma_start3A_124 : memref<1x4096xi32, #tpu.memory_space<hbm>> -> memref<4096xi32, #tpu.memory_space<hbm>>
          %dma_start3A_126 = tpu.memref_slice %arg12[%dma_start3A_122] : memref<2x!tpu.dma_semaphore, #tpu.memory_space<semaphore_mem>> -> memref<1x!tpu.dma_semaphore, #tpu.memory_space<semaphore_mem>>
          %dma_start3A_127 = tpu.memref_squeeze %dma_start3A_126 : memref<1x!tpu.dma_semaphore, #tpu.memory_space<semaphore_mem>> -> memref<!tpu.dma_semaphore, #tpu.memory_space<semaphore_mem>>
          %dma_start3A_128 = arith.constant 0 : i32
          %dma_start3A_129 = tpu.memref_slice %arg2[%add3A_121, %dma_start3A_128] : memref<200x4096xi32, #tpu.memory_space<hbm>> -> memref<1x4096xi32, #tpu.memory_space<hbm>>
          %dma_start3A_130 = tpu.memref_squeeze %dma_start3A_129 : memref<1x4096xi32, #tpu.memory_space<hbm>> -> memref<4096xi32, #tpu.memory_space<hbm>>
          tpu.enqueue_dma source(%dma_start3A_130 : memref<4096xi32, #tpu.memory_space<hbm>>) target(%arg9 : memref<4096xi32, #tpu.memory_space<vmem>>) target_semaphore(%dma_start3A_127 : memref<!tpu.dma_semaphore, #tpu.memory_space<semaphore_mem>>)
        } else {
        }
      } else {
      }
      %ge3A_78 = arith.constant 200 : i32
      %ge3A_79 = arith.cmpi sge, %add3A_72, %ge3A_78 : i32
      %convert_element_type3A_80 = arith.extui %ge3A_79 : i1 to i32
      %cond3A_81 = arith.constant 0 : i32
      %cond3A_82 = arith.cmpi ne, %convert_element_type3A_80, %cond3A_81 : i32
      scf.if %cond3A_82 {
        %sub3A = arith.constant 2 : i32
        %sub3A_84 = arith.subi %add3A_72, %sub3A : i32
        %dma_wait3A = arith.constant 1 : i32
        %dma_wait3A_85 = arith.constant 0 : i32
        %dma_wait3A_86 = tpu.memref_slice %arg5[%sub3A_84, %add3A_29, %dma_wait3A_85] : memref<200x64x4096xf32, #tpu.memory_space<hbm>> -> memref<1x1x4096xf32, #tpu.memory_space<hbm>>
        %dma_wait3A_87 = tpu.memref_squeeze %dma_wait3A_86 : memref<1x1x4096xf32, #tpu.memory_space<hbm>> -> memref<4096xf32, #tpu.memory_space<hbm>>
        %dma_wait3A_88 = tpu.memref_slice %arg13[%dma_wait3A] : memref<2x!tpu.dma_semaphore, #tpu.memory_space<semaphore_mem>> -> memref<1x!tpu.dma_semaphore, #tpu.memory_space<semaphore_mem>>
        %dma_wait3A_89 = tpu.memref_squeeze %dma_wait3A_88 : memref<1x!tpu.dma_semaphore, #tpu.memory_space<semaphore_mem>> -> memref<!tpu.dma_semaphore, #tpu.memory_space<semaphore_mem>>
        %dma_wait3A_90 = arith.constant 0 : i32
        %dma_wait3A_91 = tpu.memref_slice %arg5[%sub3A_84, %add3A_29, %dma_wait3A_90] : memref<200x64x4096xf32, #tpu.memory_space<hbm>> -> memref<1x1x4096xf32, #tpu.memory_space<hbm>>
        %dma_wait3A_92 = tpu.memref_squeeze %dma_wait3A_91 : memref<1x1x4096xf32, #tpu.memory_space<hbm>> -> memref<4096xf32, #tpu.memory_space<hbm>>
        tpu.wait_dma2 semaphore(%dma_wait3A_89 : memref<!tpu.dma_semaphore, #tpu.memory_space<semaphore_mem>>) src(%arg11 : memref<4096xf32, #tpu.memory_space<vmem>>) dst(%dma_wait3A_92 : memref<4096xf32, #tpu.memory_space<hbm>>)
      } else {
      }
      %scan3A_83 = arith.constant 0 : i32
      scf.yield %scan3A_83 : i32
    }
    %scan3A_56 = arith.constant 101 : i32
    return
  }
}

</mosaic_0001>

<sc_bundles>
// kernel: kernel.3.cloned.1.call-start
scs
__scs_entry_jumppad:
0x0: {  	(pc) =	sbr.rel $0x88, $3  }
0x1: {  	(tag) =	ssettag $0x0;
	lr =	simm.s32 $0x1  }
0x2: {  	[smem:$0x3F9E] =	sst lr;
	_ =	strace $0xD0000000  }
0x3: {  	_ = 	snop  }
0x4: {  	_ = 	snop  }
0x5: {  	_ = 	snop  }
0x6: {  	_ = 	snop  }
0x7: {  	_ = 	snop  }
__scs_overlays_trampoline_lowered:
0x8: {  	[smem:$0x3FAD] =	sst s0  }
0x9: {  	[smem:$0x3FAE] =	sst s1  }
0xa: {  	[smem:$0x3FAF] =	sst s2  }
0xb: {  	[smem:$0x3FB0] =	sst s3  }
0xc: {  	[smem:$0x3FB1] =	sst s4  }
0xd: {  	[smem:$0x3FB2] =	sst s5  }
0xe: {  	[smem:$0x3FB3] =	sst s6  }
0xf: {  	[smem:$0x3FB4] =	sst s7  }
0x10: {  	[smem:$0x3FB5] =	sst s8  }
0x11: {  	[smem:$0x3FB6] =	sst s9;
	s0 =	simm.s32 @!p0 $0x0  }
0x12: {  	s1 =	sld [smem:$0x3F9C];
	s0 =	simm.s32 @p0 $0x1  }
0x13: {  	[smem:$0x3FB7] =	sst s0;
	s0 =	simm.s32 @!p1 $0x0  }
0x14: {  	s2 =	sld [smem:$0x3F9B];
	s0 =	simm.s32 @p1 $0x1  }
0x15: {  	[smem:$0x3FB8] =	sst s0;
	s0 =	simm.s32 @!p2 $0x0  }
0x16: {  	s3 =	sld [smem:$0x3FDB];
	s0 =	simm.s32 @p2 $0x1  }
0x17: {  	s4 =	simm.s32 $0x1BF5;
	[smem:$0x3FBA] =	sst s0  }
0x18: {  	s0 =	sld [smem:$0x3F9D];
	_ =	swait.ge [sflag:s4], $0x0  }
0x19: {  	s7 =	sld [smem:$0x3F9E]  }
0x1a: {  	s8 =	sadd.s32 $0xFFFFE003, lr  }
0x1b: {  	s9 =	sadd.s32 $0xFFFFFEF7, lr;
	s5 =	simm.s32 $0xFFFFFFFF;
	p2 =	slt.u32 s8, $0xFFFFF086  }
0x1c: {  	p1 =	slt.u32 s9, $0xF7A;
	s5 =	simm.s32 @!p2 $0x0  }
0x1d: {  	s5 =	simm.s32 @p1 $0x1;
	p0 =	seq.s32 s7, s2  }
0x1e: {  	s7 =	smul.u32 @!p0 $0xF7A, s2;
	p2 =	seq.s32 @!p0 s5, $0x0  }
0x1f: {  	s9 =	smul.u32 $0xF7A, s1;
	s8 =	simm.s32 @!p0 $0x1BF5;
	p2 =	por !p2, p0  }
0x20: {  	[sflag:s8] =	ssyncset.s32 @!p0 $0xFFFFF086;
	s6 =	sadd.s32 @!p0 s3, s7;
	s7 =	simm.s32 @!p0 $0x108  }
0x21: {  	s3 =	sadd.s32 s3, s9;
	s6 =	sadd.s32 @!p0 $0x88, s6;
	s7 =	simm.s32 @p2 $0x1082  }
0x22: {  	[simem:s7], [sflag:s8] =	dma.local @!p0 [hbm:s6], $0xF7A  }
0x23: {  	s9 =	sor.u32 $0xD0000000, s2;
	s6 =	simm.s32 $0x108;
	_ =	swait.ge @!p0 [sflag:s8], $0x0  }
0x24: {  	s3 =	sadd.s32 $0x88, s3;
	s6 =	simm.s32 @!p1 $0x1082;
	[sflag:s4] =	ssyncset.s32 $0xFFFFF086  }
0x25: {  	[simem:s6], [sflag:s4] =	dma.local [hbm:s3], $0xF7A  }
0x26: {  	[smem:$0x3F9E] =	sst s1;
	(tag) =	ssettag s2;
	_ =	strace s9  }
0x27: {  	s1 =	sld [smem:$0x3FAE]  }
0x28: {  	s2 =	sld [smem:$0x3FAF]  }
0x29: {  	s4 =	sld [smem:$0x3FB1]  }
0x2a: {  	p0 =	seq.s32 s5, $0x0;
	s5 =	sld [smem:$0x3FB2]  }
0x2b: {  	s6 =	sld [smem:$0x3FB3]  }
0x2c: {  	s7 =	sld [smem:$0x3FB4]  }
0x2d: {  	s3 =	simm.s32 $0x108;
	s8 =	sld [smem:$0x3FB5]  }
0x2e: {  	s3 =	simm.s32 @!p0 $0x1082;
	s9 =	sld [smem:$0x3FB6]  }
0x2f: {  	lr =	sadd.s32 s0, s3;
	s0 =	sld [smem:$0x3FAD]  }
0x30: {  	s3 =	sld [smem:$0x3FB0]  }
0x31: {  	[smem:$0x3FB9] =	sst s10  }
0x32: {  	s10 =	sld [smem:$0x3FB7];
	_ =	sdelay $0x3  }
0x33: {  	p0 =	seq.s32 s10, $0x1;
	s10 =	sld [smem:$0x3FB9];
	_ =	sdelay $0x3  }
0x34: {  	[smem:$0x3FB9] =	sst s10  }
0x35: {  	s10 =	sld [smem:$0x3FB8];
	_ =	sdelay $0x3  }
0x36: {  	p1 =	seq.s32 s10, $0x1;
	s10 =	sld [smem:$0x3FB9];
	_ =	sdelay $0x3  }
0x37: {  	[smem:$0x3FB9] =	sst s10  }
0x38: {  	s10 =	sld [smem:$0x3FBA]  }
0x39: {  	_ = 	snop;
	(pc) =	sbr.ind lr, $3  }
0x3a: {  	_ = 	snop  }
0x3b: {  	_ = 	snop  }
0x3c: {  	p2 =	seq.s32 s10, $0x1;
	s10 =	sld [smem:$0x3FB9]  }
0x3d: {  	_ =	shalt  }
0x3e: {  	_ =	shalt  }
0x3f: {  	_ =	shalt  }
0x40: {  	_ =	shalt  }
0x41: {  	_ =	shalt  }
0x42: {  	_ =	shalt  }
0x43: {  	_ =	shalt  }
0x44: {  	_ =	shalt  }
0x45: {  	_ =	shalt  }
0x46: {  	_ =	shalt  }
0x47: {  	_ =	shalt  }
0x48: {  	_ =	shalt  }
0x49: {  	_ =	shalt  }
0x4a: {  	_ =	shalt  }
0x4b: {  	_ =	shalt  }
0x4c: {  	_ =	shalt  }
0x4d: {  	_ =	shalt  }
0x4e: {  	_ =	shalt  }
0x4f: {  	_ =	shalt  }
0x50: {  	_ =	shalt  }
0x51: {  	_ =	shalt  }
0x52: {  	_ =	shalt  }
0x53: {  	_ =	shalt  }
0x54: {  	_ =	shalt  }
0x55: {  	_ =	shalt  }
0x56: {  	_ =	shalt  }
0x57: {  	_ =	shalt  }
0x58: {  	_ =	shalt  }
0x59: {  	_ =	shalt  }
0x5a: {  	_ =	shalt  }
0x5b: {  	_ =	shalt  }
0x5c: {  	_ =	shalt  }
0x5d: {  	_ =	shalt  }
0x5e: {  	_ =	shalt  }
0x5f: {  	_ =	shalt  }
0x60: {  	_ =	shalt  }
0x61: {  	_ =	shalt  }
0x62: {  	_ =	shalt  }
0x63: {  	_ =	shalt  }
0x64: {  	_ =	shalt  }
0x65: {  	_ =	shalt  }
0x66: {  	_ =	shalt  }
0x67: {  	_ =	shalt  }
0x68: {  	_ =	shalt  }
0x69: {  	_ =	shalt  }
0x6a: {  	_ =	shalt  }
0x6b: {  	_ =	shalt  }
0x6c: {  	_ =	shalt  }
0x6d: {  	_ =	shalt  }
0x6e: {  	_ =	shalt  }
0x6f: {  	_ =	shalt  }
0x70: {  	_ =	shalt  }
0x71: {  	_ =	shalt  }
0x72: {  	_ =	shalt  }
0x73: {  	_ =	shalt  }
0x74: {  	_ =	shalt  }
0x75: {  	_ =	shalt  }
0x76: {  	_ =	shalt  }
0x77: {  	_ =	shalt  }
0x78: {  	_ =	shalt  }
0x79: {  	_ =	shalt  }
0x7a: {  	_ =	shalt  }
0x7b: {  	_ =	shalt  }
0x7c: {  	_ =	shalt  }
0x7d: {  	_ =	shalt  }
0x7e: {  	_ =	shalt  }
0x7f: {  	_ =	shalt  }
0x80: {  	_ =	shalt  }
0x81: {  	_ =	shalt  }
0x82: {  	_ =	shalt  }
0x83: {  	_ =	shalt  }
0x84: {  	_ =	shalt  }
0x85: {  	_ =	shalt  }
0x86: {  	_ =	shalt  }
0x87: {  	_ =	shalt  }
.Lfunc_end0:
.L_simem_size_0:
called_computation_lowered:
.L_overlay_start_0:
0x88: {  	s2 =	sld [smem:$0x3FD9]  }
0x89: {  	s3 =	sld [smem:$0x3FFE];
	_ =	sdelay $0x1  }
0x8a: {  	s1 =	srdreg.scid  }
0x8b: {  	s0 =	sand.u32 $0x1, s1  }
0x8c: {  	s18 =	sshll.u32 s0, $0xA;
	s2 =	sadd.s32 s3, s2  }
0x8d: {  	s2 =	sadd.s32 s2, s18  }
0x8e: {  	[smem:$0x3FC5] =	sst s2  }
0x8f: {  	_ = 	snop  }
0x90: {  	s2 =	sld [smem:$0x3FC9]  }
0x91: {  	s19 =	sld [smem:$0x3FC8]  }
0x92: {  	s4 =	sld [smem:$0x3FC7]  }
0x93: {  	s5 =	sld [smem:$0x3FD0];
	(tm) =	ssettm $0x1  }
0x94: {  	s6 =	sld [smem:$0x3FFB];
	_ =	sdelay $0x3  }
0x95: {  	_ =	strace s6  }
0x96: {  	s6 =	sld [smem:$0x3FFC];
	_ =	sdelay $0x3  }
0x97: {  	_ =	strace s6  }
0x98: {  	s6 =	sld [smem:$0x3FFD];
	_ =	sdelay $0x3  }
0x99: {  	_ =	strace s6  }
0x9a: {  	_ =	strace $0x8FFFFFFF  }
0x9b: {  	s20 =	sld [smem:$0x3FDB];
	_ =	sdelay $0x1  }
0x9c: {  	s7 =	simm.s32 $_scs_section_size  }
0x9d: {  	s8 =	simm.s32 $_size__tile_overlayer_lowered;
	s9 =	simm.s32 $_tile_overlayer_lowered  }
0x9e: {  	s23 =	simm.s32 $0x1BFF;
	s22 =	sshll.u32 s9, $0x1;
	s6 =	sadd.s32 s7, s20  }
0x9f: {  	s10 =	simm.s32 $0x0;
	s21 =	sshll.u32 s8, $0x1;
	s8 =	sadd.s32 s22, s6  }
0xa0: {  	[timem:s10], [sflag:s23] =	dma.local [hbm:s8], s21  }
0xa1: {  	_ =	swait.ge [sflag:s23], s21  }
0xa2: {  	s7 =	ssub.s32 $0x0, s21;
	[sflag:s23] =	ssyncset.done $0x0  }
0xa3: {  	[sflag:s23] =	ssyncadd.s32 s7;
	_ =	sdelay $0x1  }
0xa4: {  	s24 =	simm.s32 $0x1B8B  }
0xa5: {  	_ =	swait.ge [sflag:s24], $0x1  }
0xa6: {  	[sflag:s24] =	ssyncset.done $0x0  }
0xa7: {  	s25 =	simm.s32 $0x1B8E;
	[sflag:s24] =	ssyncadd.s32 $0xFFFFFFFF  }
0xa8: {  	s26 =	simm.s32 $execute0_lowered;
	[smem:$0x3FD2] =	sst s25  }
0xa9: {  	s7 =	sshll.u32 s26, $0x1;
	_ =	strace $0x80000046;
	[dreg:$0x1] =	wrdreg $0xFFFFFFFF  }
0xaa: {  	s28 =	simm.s32 $_size_execute0_lowered;
	s6 =	sadd.s32 s6, s7;
	[dreg:$0x0] =	wrdreg $0x0  }
0xab: {  	s7 =	sshll.u32 s28, $0x1;
	[dreg:$0x2] =	wrdreg s6  }
0xac: {  	[dreg:$0x3] =	wrdreg s7  }
0xad: {  	[dreg:$0x4] =	wrdreg $0xC0  }
0xae: {  	_ =	task [dreg:s10], $0x5FFFF  }
0xaf: {  	[dreg:$0x1] =	wrdreg $0xFFFFFFFF  }
0xb0: {  	[dreg:$0x0] =	wrdreg $0x60  }
0xb1: {  	[dreg:$0x2] =	wrdreg s2  }
0xb2: {  	[dreg:$0x3] =	wrdreg s19  }
0xb3: {  	[dreg:$0x4] =	wrdreg s4  }
0xb4: {  	[dreg:$0x5] =	wrdreg s5  }
0xb5: {  	[dreg:$0x6] =	wrdreg $0x9  }
0xb6: {  	_ =	task.clear_ibuf [dreg:s10], $0x7FFFF;
	_ =	strace $0x90000046  }
0xb7: {  	s29 =	simm.s32 $0x9;
	_ =	strace $0x80000048  }
0xb8: {  	_ =	swait.ge [sflag:s29], $0x1  }
0xb9: {  	[sflag:s29] =	ssyncadd.s32 $0xFFFFFFFF  }
0xba: {  	_ =	strace $0x90000048  }
0xbb: {  	_ =	sfence  }
0xbc: {  	s30 =	sld [smem:$0x0];
	_ =	sdelay $0x2  }
0xbd: {  	s31 =	sshll.u32 s1, $0xD;
	s1 =	sshrl.u32 s1, $0x2  }
0xbe: {  	s3 =	sand.u32 $0x4000, s31;
	s1 =	sadd.s32 s1, s30  }
0xbf: {  	s0 =	sor.u32 s3, s0;
	s1 =	sshll.u32 s1, $0x11  }
0xc0: {  	s0 =	sor.u32 s1, s0  }
0xc1: {  	s0 =	sadd.s32 $0x8F2B, s0  }
0xc2: {  	[sflag:s0] =	ssyncadd.remote.s32 $0x1  }
0xc3: {  	_ =	sfence.sel $0xFFFF  }
0xc4: {  	[dreg:$0x0] =	wrdreg $0xFFFFFFFF;
	(pc) =	sbr.abs _section_cstart, $3  }
0xc5: {  	[dreg:$0x1] =	wrdreg $0xFFFFFFFF  }
0xc6: {  	_ =	task.clear_ibuf [dreg:s10], $0x2FFFF;
	_ =	strace $0x9FFFFFFF  }
0xc7: {  	(tm) =	ssettm $0x7FFFFFFF  }
tec
execute0_lowered:
.L_overlay_start_1:
0x0: {  	(tag) =	ssettag $0x1  }
0x1: {  	s1 =	rddreg [dreg:$0x0]  }
0x2: {  	s8 =	rddreg [dreg:$0x1]  }
0x3: {  	s9 =	rddreg [dreg:$0x2]  }
0x4: {  	s2 =	rddreg [dreg:$0x3]  }
0x5: {  	s4 =	simm.s32 $0x0;
	s5 =	srdreg.scid;
	s3 =	stileid.u32  }
0x6: {  	s17 =	simm.s32 $0x18800;
	s18 =	simm.s32 $0x19800;
	s19 =	simm.s32 $0x3  }
0x7: {  	s20 =	simm.s32 $0x4;
	s21 =	simm.s32 $0x1;
	s22 =	simm.s32 $0x1A800  }
0x8: {  	s23 =	simm.s32 $0x2;
	s24 =	simm.s32 $0x1B800;
	s25 =	simm.s32 $0x0  }
0x9: {  	[smem:$0x7FF] =	sst s4;
	s5 =	sand.u32 $0x1, s5;
	s10 =	sshrl.u32 s3, $0x2  }
0xa: {  	s7 =	sshll.u32 s3, $0x8;
	s6 =	ssub.s32 $0x2, s5;
	s5 =	sshll.u32 s5, $0x7  }
0xb: {  	s7 =	sand.u32 $0x300, s7;
	s11 =	smul.u32 $0xC3800, s10;
	_ =	strace $0x80000047  }
0xc: {  	s26 =	sshll.u32 s10, $0xB;
	s28 =	sor.u32 $0x4, s10;
	s16 =	sshll.u32 s10, $0xF  }
0xd: {  	s12 =	sshrl.u32 s6, $0x1;
	s13 =	sor.u32 s5, s7;
	s14 =	smul.u32 $0xC3800, s28  }
0xe: {  	s15 =	sshll.u32 s28, $0xB;
	s31 =	sshll.u32 s28, $0xF;
	s5 =	sor.u32 s11, s13  }
0xf: {  	s7 =	sor.u32 s26, s13;
	s12 =	ssub.s32 s6, s12;
	s15 =	sor.u32 s13, s15  }
0x10: {  	s11 =	sor.u32 s16, s13;
	s16 =	simm.s32 $0x18700;
	s5 =	sshrl.u32 s5, $0x3  }
.Ltmp0:
0x11: {  	s29 =	sshrl.u32 s7, $0x3;
	s14 =	sor.u32 s13, s14;
	(pc) =	sbr.rel .LBB2_1-.Ltmp0, $4  }
0x12: {  	s7 =	sadd.s32 $0x10, s1;
	s30 =	sshrl.u32 s15, $0x3;
	s10 =	smax.u32 s12, $0x1  }
0x13: {  	s12 =	sor.u32 s31, s13;
	s13 =	simm.s32 $0x80;
	s15 =	simm.s32 $0x5  }
0x14: {  	s5 =	sadd.s32 s8, s5;
	s6 =	sadd.s32 s9, s29;
	s14 =	sshrl.u32 s14, $0x3  }
0x15: {  	s9 =	sadd.s32 s9, s30;
	s8 =	sadd.s32 s8, s14;
	s14 =	simm.s32 $0x400  }
.LBB2_18:
0x16: {  	_ =	swait.ge [sflag:s19], $0x1000  }
0x17: {  	[sflag:s19] =	ssyncset.done $0x0  }
0x18: {  	[sflag:s19] =	ssyncadd.s32 $0xFFFFF000  }
0x19: {  	_ =	swait.ge [sflag:s20], $0x1000  }
0x1a: {  	[sflag:s20] =	ssyncset.done $0x0  }
0x1b: {  	[sflag:s20] =	ssyncadd.s32 $0xFFFFF000  }
.LBB2_15:
0x1c: {  	s25 =	sadd.s32 $0x1, s25  }
0x1d: {  	p0 =	sne.s32 s25, s10  }
.Ltmp1:
0x1e: {  	_ = 	snop;
	(pc) =	sbr.rel @!p0 .LBB2_16-.Ltmp1, $1  }
0x1f: {  	_ =	sdelay $0x3  }
.LBB2_1:
0x20: {  	[tilespmem:s4], [sflag:$0x5] =	stream.strided.gather [hbm4b:s5+s13], $0x18700, s14, s13, $0x38;
	[tilespmem:$0x1C800] =	vst v63  }
0x21: {  	_ =	swait.ge [sflag:s15], $0x18700  }
0x22: {  	[sflag:s15] =	ssyncset.done $0x0  }
0x23: {  	[sflag:s15] =	ssyncadd.s32 $0xFFFE7900  }
0x24: {  	[tilespmem:s16], [sflag:$0x5] =	stream.strided.gather [hbm4b:s6+s13], $0x100, s14, s13, $0x38;
	[tilespmem:$0x1C800] =	vst v63  }
0x25: {  	_ =	swait.ge [sflag:s15], $0x100  }
0x26: {  	[sflag:s15] =	ssyncset.done $0x0  }
0x27: {  	[sflag:s15] =	ssyncadd.s32 $0xFFFFFF00  }
0x28: {  	[tilespmem:s17], [sflag:$0x1] =	stream.strided.gather [hbm4b:s1+s13], $0x1000, s14, s13, $0x38;
	[tilespmem:$0x1C800] =	vst v63  }
0x29: {  	s26 =	simm.s32 $0x0  }
0x2a: {  	[tilespmem:s18], [sflag:$0x2] =	stream.strided.gather [hbm4b:s7+s13], $0x1000, s14, s13, $0x38;
	[tilespmem:$0x1C800] =	vst v63  }
.LBB2_2:
0x2b: {  	p0 =	seq.s32 s26, $0x64  }
.Ltmp2:
0x2c: {  	_ = 	snop;
	(pc) =	sbr.rel @p0 .LBB2_17-.Ltmp2, $1  }
0x2d: {  	_ =	sdelay $0x3  }
0x2e: {  	_ =	swait.ge [sflag:s21], $0x1000  }
0x2f: {  	p1 =	seq.s32 s26, $0x0;
	[sflag:s21] =	ssyncset.done $0x0  }
0x30: {  	s29 =	simm.s32 @!p1 $0x3;
	[sflag:s21] =	ssyncadd.s32 $0xFFFFF000  }
0x31: {  	_ =	swait.ge @!p1 [sflag:s29], $0x1000  }
0x32: {  	[sflag:s29] =	ssyncset.done @!p1 $0x0  }
0x33: {  	[sflag:s29] =	ssyncadd.s32 @!p1 $0xFFFFF000;
	s29 =	simm.s32 $0x0  }
0x34: {  	v1 =	vld [tilespmem:s29+$0x18800]  }
0x35: {  	v2 =	vld [tilespmem:s29+$0x18810]  }
0x36: {  	v3 =	vld [tilespmem:s29+$0x18820]  }
0x37: {  	v5 =	vld [tilespmem:s29+$0x18830]  }
0x38: {  	v7 =	vld [tilespmem:s29+$0x18840]  }
0x39: {  	v14 =	vld [tilespmem:s29+$0x18850]  }
0x3a: {  	s28 =	sshll.u32 s26, $0x1;
	v15 =	vld [tilespmem:s29+$0x18860]  }
0x3b: {  	v0 =	vmov s28;
	v8 =	vld [tilespmem:s29+$0x18870]  }
0x3c: {  	v0 =	vand.u32 $0xFFFFFFFE, v0;
	v9 =	vld [tilespmem:s29+$0x18880]  }
0x3d: {  	v0 =	vbroadcast v0, $0x0;
	v10 =	vld [tilespmem:s29+$0x18890]  }
0x3e: {  	v11 =	vld [tilespmem:s29+$0x188A0]  }
0x3f: {  	v12 =	vld [tilespmem:s29+$0x188B0]  }
0x40: {  	v13 =	vld [tilespmem:s29+$0x188C0]  }
0x41: {  	v6 =	vld [tilespmem:s29+$0x188D0]  }
0x42: {  	v4 =	vld [tilespmem:s29+$0x188E0]  }
0x43: {  	s30 =	simm.s32 $0x400;
	v0 =	vld.idx.msk [tilespmem:v0+s16+$0x0], $0xffff  }
.LBB2_4:
0x44: {  	p0 =	sne.s32 s30, $0x3C00;
	v16 =	vld [tilespmem:s29+$0x188F0]  }
0x45: {  	v1 =	vld.idx.msk [tilespmem:v1+s4+$0x0], $0xffff  }
0x46: {  	v2 =	vld.idx.msk [tilespmem:v2+s4+$0x0], $0xffff  }
0x47: {  	v3 =	vld.idx.msk [tilespmem:v3+s4+$0x0], $0xffff  }
0x48: {  	v5 =	vld.idx.msk [tilespmem:v5+s4+$0x0], $0xffff  }
0x49: {  	v7 =	vld.idx.msk [tilespmem:v7+s4+$0x0], $0xffff  }
0x4a: {  	v14 =	vld.idx.msk [tilespmem:v14+s4+$0x0], $0xffff  }
0x4b: {  	v17 =	vadd.f32 v1, v0;
	v15 =	vld.idx.msk [tilespmem:v15+s4+$0x0], $0xffff  }
0x4c: {  	v1 =	vld.idx.msk [tilespmem:v16+s4+$0x0], $0xffff;
	v16 =	vadd.f32 v2, v0  }
0x4d: {  	v2 =	vld.idx.msk [tilespmem:v8+s4+$0x0], $0xffff;
	v8 =	vadd.f32 v3, v0  }
0x4e: {  	v3 =	vld.idx.msk [tilespmem:v9+s4+$0x0], $0xffff;
	v9 =	vadd.f32 v5, v0  }
0x4f: {  	v5 =	vld.idx.msk [tilespmem:v10+s4+$0x0], $0xffff;
	v10 =	vadd.f32 v7, v0  }
0x50: {  	v7 =	vld.idx.msk [tilespmem:v11+s4+$0x0], $0xffff;
	v11 =	vadd.f32 v14, v0  }
0x51: {  	v18 =	vadd.f32 v15, v0;
	v12 =	vld.idx.msk [tilespmem:v12+s4+$0x0], $0xffff  }
0x52: {  	v1 =	vadd.f32 v1, v0;
	v13 =	vld.idx.msk [tilespmem:v13+s4+$0x0], $0xffff  }
0x53: {  	v19 =	vadd.f32 v2, v0;
	v6 =	vld.idx.msk [tilespmem:v6+s4+$0x0], $0xffff  }
0x54: {  	s31 =	sshra.s32 s30, $0x2;
	v20 =	vadd.f32 v3, v0;
	v4 =	vld.idx.msk [tilespmem:v4+s4+$0x0], $0xffff;
	[tilespmem:s29+$0x1A8F0] =	vst v1  }
0x55: {  	v1 =	vld [tilespmem:s31+$0x18800];
	[tilespmem:s29+$0x1A800] =	vst v17;
	v17 =	vadd.f32 v5, v0  }
0x56: {  	v2 =	vld [tilespmem:s31+$0x18810];
	[tilespmem:s29+$0x1A810] =	vst v16;
	v16 =	vadd.f32 v7, v0  }
0x57: {  	v21 =	vadd.f32 v12, v0;
	v3 =	vld [tilespmem:s31+$0x18820];
	[tilespmem:s29+$0x1A820] =	vst v8  }
0x58: {  	v22 =	vadd.f32 v13, v0;
	v5 =	vld [tilespmem:s31+$0x18830];
	[tilespmem:s29+$0x1A830] =	vst v9  }
0x59: {  	v23 =	vadd.f32 v6, v0;
	v7 =	vld [tilespmem:s31+$0x18840];
	[tilespmem:s29+$0x1A840] =	vst v10  }
0x5a: {  	v24 =	vadd.f32 v4, v0;
	v14 =	vld [tilespmem:s31+$0x18850];
	[tilespmem:s29+$0x1A850] =	vst v11  }
0x5b: {  	v15 =	vld [tilespmem:s31+$0x18860];
	[tilespmem:s29+$0x1A860] =	vst v18  }
0x5c: {  	v8 =	vld [tilespmem:s31+$0x18870];
	[tilespmem:s29+$0x1A870] =	vst v19  }
0x5d: {  	v9 =	vld [tilespmem:s31+$0x18880];
	[tilespmem:s29+$0x1A880] =	vst v20  }
0x5e: {  	v10 =	vld [tilespmem:s31+$0x18890];
	[tilespmem:s29+$0x1A890] =	vst v17  }
.Ltmp3:
0x5f: {  	v11 =	vld [tilespmem:s31+$0x188A0];
	[tilespmem:s29+$0x1A8A0] =	vst v16;
	(pc) =	sbr.rel @p0 .LBB2_4-.Ltmp3, $4  }
0x60: {  	v12 =	vld [tilespmem:s31+$0x188B0];
	[tilespmem:s29+$0x1A8B0] =	vst v21  }
0x61: {  	v13 =	vld [tilespmem:s31+$0x188C0];
	[tilespmem:s29+$0x1A8C0] =	vst v22  }
0x62: {  	v6 =	vld [tilespmem:s31+$0x188D0];
	[tilespmem:s29+$0x1A8D0] =	vst v23  }
0x63: {  	s30 =	sadd.s32 $0x400, s30;
	v4 =	vld [tilespmem:s31+$0x188E0];
	[tilespmem:s29+$0x1A8E0] =	vst v24;
	s29 =	smov.u32 s31  }
0x64: {  	_ =	sdelay $0x2  }
0x65: {  	v16 =	vld [tilespmem:s29+$0x188F0]  }
0x66: {  	v1 =	vld.idx.msk [tilespmem:v1+s4+$0x0], $0xffff  }
0x67: {  	v2 =	vld.idx.msk [tilespmem:v2+s4+$0x0], $0xffff  }
0x68: {  	v3 =	vld.idx.msk [tilespmem:v3+s4+$0x0], $0xffff  }
0x69: {  	v5 =	vld.idx.msk [tilespmem:v5+s4+$0x0], $0xffff  }
0x6a: {  	v7 =	vld.idx.msk [tilespmem:v7+s4+$0x0], $0xffff  }
0x6b: {  	v14 =	vld.idx.msk [tilespmem:v14+s4+$0x0], $0xffff  }
0x6c: {  	v15 =	vld.idx.msk [tilespmem:v15+s4+$0x0], $0xffff  }
0x6d: {  	v8 =	vld.idx.msk [tilespmem:v8+s4+$0x0], $0xffff  }
0x6e: {  	v9 =	vld.idx.msk [tilespmem:v9+s4+$0x0], $0xffff  }
0x6f: {  	v10 =	vld.idx.msk [tilespmem:v10+s4+$0x0], $0xffff  }
0x70: {  	v11 =	vld.idx.msk [tilespmem:v11+s4+$0x0], $0xffff  }
0x71: {  	v12 =	vld.idx.msk [tilespmem:v12+s4+$0x0], $0xffff  }
0x72: {  	v13 =	vld.idx.msk [tilespmem:v13+s4+$0x0], $0xffff  }
0x73: {  	v6 =	vld.idx.msk [tilespmem:v6+s4+$0x0], $0xffff;
	v1 =	vadd.f32 v1, v0  }
0x74: {  	v4 =	vld.idx.msk [tilespmem:v4+s4+$0x0], $0xffff;
	v2 =	vadd.f32 v2, v0  }
0x75: {  	v3 =	vadd.f32 v3, v0;
	v16 =	vld.idx.msk [tilespmem:v16+s4+$0x0], $0xffff;
	[tilespmem:s29+$0x1A800] =	vst v1  }
0x76: {  	v1 =	vadd.f32 v5, v0;
	[tilespmem:s29+$0x1A810] =	vst v2  }
0x77: {  	v2 =	vadd.f32 v7, v0;
	[tilespmem:s29+$0x1A820] =	vst v3  }
0x78: {  	v3 =	vadd.f32 v14, v0;
	[tilespmem:s29+$0x1A830] =	vst v1  }
0x79: {  	v1 =	vadd.f32 v15, v0;
	[tilespmem:s29+$0x1A840] =	vst v2  }
0x7a: {  	v2 =	vadd.f32 v8, v0;
	[tilespmem:s29+$0x1A850] =	vst v3  }
0x7b: {  	v3 =	vadd.f32 v9, v0;
	[tilespmem:s29+$0x1A860] =	vst v1  }
0x7c: {  	v1 =	vadd.f32 v10, v0;
	[tilespmem:s29+$0x1A870] =	vst v2  }
0x7d: {  	v2 =	vadd.f32 v11, v0;
	[tilespmem:s29+$0x1A880] =	vst v3  }
0x7e: {  	v3 =	vadd.f32 v12, v0;
	[tilespmem:s29+$0x1A890] =	vst v1  }
0x7f: {  	v16 =	vadd.f32 v16, v0;
	[tilespmem:s29+$0x1A8A0] =	vst v2  }
0x80: {  	v1 =	vadd.f32 v13, v0;
	[tilespmem:s29+$0x1A8B0] =	vst v3  }
0x81: {  	s30 =	sshll.u32 s26, $0x13;
	v2 =	vadd.f32 v6, v0;
	[tilespmem:s29+$0x1A8F0] =	vst v16  }
0x82: {  	s30 =	sor.u32 s11, s30;
	v0 =	vadd.f32 v4, v0;
	[tilespmem:s29+$0x1A8C0] =	vst v1  }
0x83: {  	s30 =	sshrl.u32 s30, $0x3;
	[tilespmem:s29+$0x1A8D0] =	vst v2  }
0x84: {  	p0 =	sgt.u32 s26, $0x62;
	[tilespmem:s29+$0x1A8E0] =	vst v0;
	s29 =	sadd.s32 s2, s30  }
0x85: {  	[hbm4b:s29+s13] =	stream.strided.scatter [tilespmem:s22], [sflag:$0x3], $0x1000, s14, s13, $0x38;
	[tilespmem:$0x1C800] =	vst v63  }
0x86: {  	s29 =	sadd.s32 @!p0 $0x2, s28  }
0x87: {  	s30 =	sshll.u32 @!p0 s29, $0x4  }
0x88: {  	s29 =	sshll.u32 @!p0 s29, $0x9;
	s30 =	sand.u32 @!p0 $0x60, s30  }
0x89: {  	s31 =	simm.s32 @!p0 $0x400;
	s29 =	sand.u32 @!p0 $0x3F000, s29;
	s30 =	sadd.s32 @!p0 s1, s30  }
0x8a: {  	s0 =	simm.s32 @!p0 $0x18800;
	s29 =	sadd.s32 @!p0 s29, s30;
	s30 =	simm.s32 @!p0 $0x80  }
0x8b: {  	[tilespmem:s0], [sflag:$0x1] =	stream.strided.gather @!p0 [hbm4b:s29+s30], $0x1000, s31, s30, $0x38;
	[tilespmem:$0x1C800] =	vst v63  }
0x8c: {  	s29 =	sor.u32 $0x1, s28;
	_ =	swait.ge [sflag:s23], $0x1000  }
0x8d: {  	v0 =	vmov s29;
	[sflag:s23] =	ssyncset.done $0x0  }
0x8e: {  	s0 =	simm.s32 @!p1 $0x4;
	[sflag:s23] =	ssyncadd.s32 $0xFFFFF000  }
0x8f: {  	_ =	swait.ge @!p1 [sflag:s0], $0x1000  }
0x90: {  	[sflag:s0] =	ssyncset.done @!p1 $0x0  }
0x91: {  	[sflag:s0] =	ssyncadd.s32 @!p1 $0xFFFFF000  }
0x92: {  	s30 =	simm.s32 $0x0;
	v0 =	vld.idx.msk [tilespmem:v0+s16+$0x0], $0xffff  }
0x93: {  	v1 =	vld [tilespmem:s30+$0x19800]  }
0x94: {  	v2 =	vld [tilespmem:s30+$0x19810]  }
0x95: {  	v3 =	vld [tilespmem:s30+$0x19820]  }
0x96: {  	v5 =	vld [tilespmem:s30+$0x19830]  }
0x97: {  	v7 =	vld [tilespmem:s30+$0x19840]  }
0x98: {  	v14 =	vld [tilespmem:s30+$0x19850]  }
0x99: {  	v15 =	vld [tilespmem:s30+$0x19860]  }
0x9a: {  	v8 =	vld [tilespmem:s30+$0x19870]  }
0x9b: {  	v9 =	vld [tilespmem:s30+$0x19880]  }
0x9c: {  	v10 =	vld [tilespmem:s30+$0x19890]  }
0x9d: {  	v11 =	vld [tilespmem:s30+$0x198A0]  }
0x9e: {  	v12 =	vld [tilespmem:s30+$0x198B0]  }
0x9f: {  	v13 =	vld [tilespmem:s30+$0x198C0]  }
0xa0: {  	v6 =	vld [tilespmem:s30+$0x198D0]  }
0xa1: {  	s31 =	simm.s32 $0x400;
	v4 =	vld [tilespmem:s30+$0x198E0]  }
.LBB2_6:
0xa2: {  	p1 =	sne.s32 s31, $0x3C00;
	v16 =	vld [tilespmem:s30+$0x198F0]  }
0xa3: {  	v1 =	vld.idx.msk [tilespmem:v1+s4+$0x0], $0xffff  }
0xa4: {  	v2 =	vld.idx.msk [tilespmem:v2+s4+$0x0], $0xffff  }
0xa5: {  	v3 =	vld.idx.msk [tilespmem:v3+s4+$0x0], $0xffff  }
0xa6: {  	v5 =	vld.idx.msk [tilespmem:v5+s4+$0x0], $0xffff  }
0xa7: {  	v7 =	vld.idx.msk [tilespmem:v7+s4+$0x0], $0xffff  }
0xa8: {  	v14 =	vld.idx.msk [tilespmem:v14+s4+$0x0], $0xffff  }
0xa9: {  	v17 =	vadd.f32 v1, v0;
	v15 =	vld.idx.msk [tilespmem:v15+s4+$0x0], $0xffff  }
0xaa: {  	v1 =	vld.idx.msk [tilespmem:v16+s4+$0x0], $0xffff;
	v16 =	vadd.f32 v2, v0  }
0xab: {  	v2 =	vld.idx.msk [tilespmem:v8+s4+$0x0], $0xffff;
	v8 =	vadd.f32 v3, v0  }
0xac: {  	v3 =	vld.idx.msk [tilespmem:v9+s4+$0x0], $0xffff;
	v9 =	vadd.f32 v5, v0  }
0xad: {  	v5 =	vld.idx.msk [tilespmem:v10+s4+$0x0], $0xffff;
	v10 =	vadd.f32 v7, v0  }
0xae: {  	v7 =	vld.idx.msk [tilespmem:v11+s4+$0x0], $0xffff;
	v11 =	vadd.f32 v14, v0  }
0xaf: {  	v18 =	vadd.f32 v15, v0;
	v12 =	vld.idx.msk [tilespmem:v12+s4+$0x0], $0xffff  }
0xb0: {  	v1 =	vadd.f32 v1, v0;
	v13 =	vld.idx.msk [tilespmem:v13+s4+$0x0], $0xffff  }
0xb1: {  	v19 =	vadd.f32 v2, v0;
	v6 =	vld.idx.msk [tilespmem:v6+s4+$0x0], $0xffff  }
0xb2: {  	s0 =	sshra.s32 s31, $0x2;
	v20 =	vadd.f32 v3, v0;
	v4 =	vld.idx.msk [tilespmem:v4+s4+$0x0], $0xffff;
	[tilespmem:s30+$0x1B8F0] =	vst v1  }
0xb3: {  	v1 =	vld [tilespmem:s0+$0x19800];
	[tilespmem:s30+$0x1B800] =	vst v17;
	v17 =	vadd.f32 v5, v0  }
0xb4: {  	v2 =	vld [tilespmem:s0+$0x19810];
	[tilespmem:s30+$0x1B810] =	vst v16;
	v16 =	vadd.f32 v7, v0  }
0xb5: {  	v21 =	vadd.f32 v12, v0;
	v3 =	vld [tilespmem:s0+$0x19820];
	[tilespmem:s30+$0x1B820] =	vst v8  }
0xb6: {  	v22 =	vadd.f32 v13, v0;
	v5 =	vld [tilespmem:s0+$0x19830];
	[tilespmem:s30+$0x1B830] =	vst v9  }
0xb7: {  	v23 =	vadd.f32 v6, v0;
	v7 =	vld [tilespmem:s0+$0x19840];
	[tilespmem:s30+$0x1B840] =	vst v10  }
0xb8: {  	v24 =	vadd.f32 v4, v0;
	v14 =	vld [tilespmem:s0+$0x19850];
	[tilespmem:s30+$0x1B850] =	vst v11  }
0xb9: {  	v15 =	vld [tilespmem:s0+$0x19860];
	[tilespmem:s30+$0x1B860] =	vst v18  }
0xba: {  	v8 =	vld [tilespmem:s0+$0x19870];
	[tilespmem:s30+$0x1B870] =	vst v19  }
0xbb: {  	v9 =	vld [tilespmem:s0+$0x19880];
	[tilespmem:s30+$0x1B880] =	vst v20  }
0xbc: {  	v10 =	vld [tilespmem:s0+$0x19890];
	[tilespmem:s30+$0x1B890] =	vst v17  }
.Ltmp4:
0xbd: {  	v11 =	vld [tilespmem:s0+$0x198A0];
	[tilespmem:s30+$0x1B8A0] =	vst v16;
	(pc) =	sbr.rel @p1 .LBB2_6-.Ltmp4, $4  }
0xbe: {  	v12 =	vld [tilespmem:s0+$0x198B0];
	[tilespmem:s30+$0x1B8B0] =	vst v21  }
0xbf: {  	v13 =	vld [tilespmem:s0+$0x198C0];
	[tilespmem:s30+$0x1B8C0] =	vst v22  }
0xc0: {  	v6 =	vld [tilespmem:s0+$0x198D0];
	[tilespmem:s30+$0x1B8D0] =	vst v23  }
0xc1: {  	s31 =	sadd.s32 $0x400, s31;
	v4 =	vld [tilespmem:s0+$0x198E0];
	[tilespmem:s30+$0x1B8E0] =	vst v24;
	s30 =	smov.u32 s0  }
0xc2: {  	_ =	sdelay $0x2  }
0xc3: {  	v16 =	vld [tilespmem:s30+$0x198F0]  }
0xc4: {  	v1 =	vld.idx.msk [tilespmem:v1+s4+$0x0], $0xffff  }
0xc5: {  	v2 =	vld.idx.msk [tilespmem:v2+s4+$0x0], $0xffff  }
0xc6: {  	v3 =	vld.idx.msk [tilespmem:v3+s4+$0x0], $0xffff  }
0xc7: {  	v5 =	vld.idx.msk [tilespmem:v5+s4+$0x0], $0xffff  }
0xc8: {  	v7 =	vld.idx.msk [tilespmem:v7+s4+$0x0], $0xffff  }
0xc9: {  	v14 =	vld.idx.msk [tilespmem:v14+s4+$0x0], $0xffff  }
0xca: {  	v15 =	vld.idx.msk [tilespmem:v15+s4+$0x0], $0xffff  }
0xcb: {  	v8 =	vld.idx.msk [tilespmem:v8+s4+$0x0], $0xffff  }
0xcc: {  	v9 =	vld.idx.msk [tilespmem:v9+s4+$0x0], $0xffff  }
0xcd: {  	v10 =	vld.idx.msk [tilespmem:v10+s4+$0x0], $0xffff  }
0xce: {  	v11 =	vld.idx.msk [tilespmem:v11+s4+$0x0], $0xffff  }
0xcf: {  	v12 =	vld.idx.msk [tilespmem:v12+s4+$0x0], $0xffff  }
0xd0: {  	v13 =	vld.idx.msk [tilespmem:v13+s4+$0x0], $0xffff  }
0xd1: {  	v6 =	vld.idx.msk [tilespmem:v6+s4+$0x0], $0xffff;
	v1 =	vadd.f32 v1, v0  }
0xd2: {  	v4 =	vld.idx.msk [tilespmem:v4+s4+$0x0], $0xffff;
	v2 =	vadd.f32 v2, v0  }
0xd3: {  	v3 =	vadd.f32 v3, v0;
	v16 =	vld.idx.msk [tilespmem:v16+s4+$0x0], $0xffff;
	[tilespmem:s30+$0x1B800] =	vst v1  }
0xd4: {  	v52 =	vadd.f32 v5, v0;
	[tilespmem:s30+$0x1B810] =	vst v2  }
0xd5: {  	v53 =	vadd.f32 v7, v0;
	[tilespmem:s30+$0x1B820] =	vst v3  }
0xd6: {  	v54 =	vadd.f32 v14, v0;
	[tilespmem:s30+$0x1B830] =	vst v52  }
0xd7: {  	v55 =	vadd.f32 v15, v0;
	[tilespmem:s30+$0x1B840] =	vst v53  }
0xd8: {  	v56 =	vadd.f32 v8, v0;
	[tilespmem:s30+$0x1B850] =	vst v54  }
0xd9: {  	v57 =	vadd.f32 v9, v0;
	[tilespmem:s30+$0x1B860] =	vst v55  }
0xda: {  	v58 =	vadd.f32 v10, v0;
	[tilespmem:s30+$0x1B870] =	vst v56  }
0xdb: {  	v59 =	vadd.f32 v11, v0;
	[tilespmem:s30+$0x1B880] =	vst v57  }
0xdc: {  	v60 =	vadd.f32 v12, v0;
	[tilespmem:s30+$0x1B890] =	vst v58  }
0xdd: {  	v61 =	vadd.f32 v13, v0;
	[tilespmem:s30+$0x1B8A0] =	vst v59  }
0xde: {  	v62 =	vadd.f32 v6, v0;
	[tilespmem:s30+$0x1B8B0] =	vst v60  }
0xdf: {  	s0 =	sshll.u32 s29, $0x12;
	v63 =	vadd.f32 v4, v0;
	[tilespmem:s30+$0x1B8C0] =	vst v61  }
0xe0: {  	s0 =	sor.u32 s11, s0;
	[tilespmem:s30+$0x1B8D0] =	vst v62;
	v16 =	vadd.f32 v16, v0  }
0xe1: {  	s0 =	sshrl.u32 s0, $0x3;
	[tilespmem:s30+$0x1B8E0] =	vst v63  }
0xe2: {  	s0 =	sadd.s32 s2, s0;
	[tilespmem:s30+$0x1B8F0] =	vst v16  }
0xe3: {  	[hbm4b:s0+s13] =	stream.strided.scatter [tilespmem:s24], [sflag:$0x4], $0x1000, s14, s13, $0x38;
	[tilespmem:$0x1C800] =	vst v63  }
0xe4: {  	s0 =	sadd.s32 @!p0 $0x3, s28  }
0xe5: {  	s28 =	sshll.u32 @!p0 s0, $0x4  }
0xe6: {  	s29 =	simm.s32 @!p0 $0x400;
	s0 =	sshll.u32 @!p0 s0, $0x9;
	s28 =	sand.u32 @!p0 $0x70, s28  }
0xe7: {  	s26 =	sadd.s32 $0x1, s26;
	s0 =	sand.u32 @!p0 $0x3F000, s0;
	s28 =	sadd.s32 @!p0 s1, s28  }
0xe8: {  	s30 =	simm.s32 @!p0 $0x19800;
	s0 =	sadd.s32 @!p0 s0, s28;
	s28 =	simm.s32 @!p0 $0x80  }
0xe9: {  	[tilespmem:s30], [sflag:$0x2] =	stream.strided.gather @!p0 [hbm4b:s0+s28], $0x1000, s29, s28, $0x38;
	[tilespmem:$0x1C800] =	vst v63  }
0xea: {  	p0 =	sne.s32 s26, $0x65  }
.Ltmp5:
0xeb: {  	_ = 	snop;
	(pc) =	sbr.rel @p0 .LBB2_2-.Ltmp5, $4  }
.Ltmp6:
0xec: {  	_ = 	snop;
	(pc) =	sbr.rel @!p0 .LBB2_8-.Ltmp6, $4  }
0xed: {  	_ = 	snop  }
0xee: {  	_ = 	snop  }
0xef: {  	_ = 	snop  }
0xf0: {  	_ = 	snop  }
.LBB2_17:
0xf1: {  	_ =	swait.ge [sflag:s19], $0x1000  }
0xf2: {  	[sflag:s19] =	ssyncset.done $0x0  }
0xf3: {  	[sflag:s19] =	ssyncadd.s32 $0xFFFFF000  }
0xf4: {  	_ =	swait.ge [sflag:s20], $0x1000  }
0xf5: {  	[sflag:s20] =	ssyncset.done $0x0  }
0xf6: {  	[sflag:s20] =	ssyncadd.s32 $0xFFFFF000  }
.LBB2_8:
0xf7: {  	s26 =	simm.s32 $0x0  }
0xf8: {  	[tilespmem:s26], [sflag:$0x5] =	stream.strided.gather [hbm4b:s8+s13], $0x18700, s14, s13, $0x38;
	[tilespmem:$0x1C800] =	vst v63  }
0xf9: {  	_ =	swait.ge [sflag:s15], $0x18700  }
0xfa: {  	[sflag:s15] =	ssyncset.done $0x0  }
0xfb: {  	[sflag:s15] =	ssyncadd.s32 $0xFFFE7900  }
0xfc: {  	[tilespmem:s16], [sflag:$0x5] =	stream.strided.gather [hbm4b:s9+s13], $0x100, s14, s13, $0x38;
	[tilespmem:$0x1C800] =	vst v63  }
0xfd: {  	_ =	swait.ge [sflag:s15], $0x100  }
0xfe: {  	[sflag:s15] =	ssyncset.done $0x0  }
0xff: {  	[sflag:s15] =	ssyncadd.s32 $0xFFFFFF00  }
0x100: {  	[tilespmem:s17], [sflag:$0x1] =	stream.strided.gather [hbm4b:s1+s13], $0x1000, s14, s13, $0x38;
	[tilespmem:$0x1C800] =	vst v63  }
0x101: {  	_ = 	snop  }
0x102: {  	[tilespmem:s18], [sflag:$0x2] =	stream.strided.gather [hbm4b:s7+s13], $0x1000, s14, s13, $0x38;
	[tilespmem:$0x1C800] =	vst v63  }
.LBB2_9:
0x103: {  	p0 =	seq.s32 s26, $0x64  }
.Ltmp7:
0x104: {  	_ = 	snop;
	(pc) =	sbr.rel @p0 .LBB2_18-.Ltmp7, $1  }
0x105: {  	_ =	sdelay $0x3  }
0x106: {  	_ =	swait.ge [sflag:s21], $0x1000  }
0x107: {  	p1 =	seq.s32 s26, $0x0;
	[sflag:s21] =	ssyncset.done $0x0  }
0x108: {  	s0 =	simm.s32 @!p1 $0x3;
	[sflag:s21] =	ssyncadd.s32 $0xFFFFF000  }
0x109: {  	_ =	swait.ge @!p1 [sflag:s0], $0x1000  }
0x10a: {  	[sflag:s0] =	ssyncset.done @!p1 $0x0  }
0x10b: {  	s29 =	simm.s32 $0x0;
	[sflag:s0] =	ssyncadd.s32 @!p1 $0xFFFFF000  }
0x10c: {  	v1 =	vld [tilespmem:s29+$0x18800]  }
0x10d: {  	v2 =	vld [tilespmem:s29+$0x18810]  }
0x10e: {  	v3 =	vld [tilespmem:s29+$0x18820]  }
0x10f: {  	v5 =	vld [tilespmem:s29+$0x18830]  }
0x110: {  	v7 =	vld [tilespmem:s29+$0x18840]  }
0x111: {  	v14 =	vld [tilespmem:s29+$0x18850]  }
0x112: {  	s28 =	sshll.u32 s26, $0x1;
	v15 =	vld [tilespmem:s29+$0x18860]  }
0x113: {  	v0 =	vmov s28;
	v8 =	vld [tilespmem:s29+$0x18870]  }
0x114: {  	v0 =	vand.u32 $0xFFFFFFFE, v0;
	v9 =	vld [tilespmem:s29+$0x18880]  }
0x115: {  	v0 =	vbroadcast v0, $0x0;
	v10 =	vld [tilespmem:s29+$0x18890]  }
0x116: {  	v11 =	vld [tilespmem:s29+$0x188A0]  }
0x117: {  	v12 =	vld [tilespmem:s29+$0x188B0]  }
0x118: {  	v13 =	vld [tilespmem:s29+$0x188C0]  }
0x119: {  	v6 =	vld [tilespmem:s29+$0x188D0]  }
0x11a: {  	v4 =	vld [tilespmem:s29+$0x188E0]  }
0x11b: {  	s30 =	simm.s32 $0x400;
	v0 =	vld.idx.msk [tilespmem:v0+s16+$0x0], $0xffff  }
.LBB2_11:
0x11c: {  	p0 =	sne.s32 s30, $0x3C00;
	v16 =	vld [tilespmem:s29+$0x188F0]  }
0x11d: {  	v1 =	vld.idx.msk [tilespmem:v1+s4+$0x0], $0xffff  }
0x11e: {  	v2 =	vld.idx.msk [tilespmem:v2+s4+$0x0], $0xffff  }
0x11f: {  	v3 =	vld.idx.msk [tilespmem:v3+s4+$0x0], $0xffff  }
0x120: {  	v5 =	vld.idx.msk [tilespmem:v5+s4+$0x0], $0xffff  }
0x121: {  	v7 =	vld.idx.msk [tilespmem:v7+s4+$0x0], $0xffff  }
0x122: {  	v14 =	vld.idx.msk [tilespmem:v14+s4+$0x0], $0xffff  }
0x123: {  	v17 =	vadd.f32 v1, v0;
	v15 =	vld.idx.msk [tilespmem:v15+s4+$0x0], $0xffff  }
0x124: {  	v1 =	vld.idx.msk [tilespmem:v16+s4+$0x0], $0xffff;
	v16 =	vadd.f32 v2, v0  }
0x125: {  	v2 =	vld.idx.msk [tilespmem:v8+s4+$0x0], $0xffff;
	v8 =	vadd.f32 v3, v0  }
0x126: {  	v3 =	vld.idx.msk [tilespmem:v9+s4+$0x0], $0xffff;
	v9 =	vadd.f32 v5, v0  }
0x127: {  	v5 =	vld.idx.msk [tilespmem:v10+s4+$0x0], $0xffff;
	v10 =	vadd.f32 v7, v0  }
0x128: {  	v7 =	vld.idx.msk [tilespmem:v11+s4+$0x0], $0xffff;
	v11 =	vadd.f32 v14, v0  }
0x129: {  	v18 =	vadd.f32 v15, v0;
	v12 =	vld.idx.msk [tilespmem:v12+s4+$0x0], $0xffff  }
0x12a: {  	v1 =	vadd.f32 v1, v0;
	v13 =	vld.idx.msk [tilespmem:v13+s4+$0x0], $0xffff  }
0x12b: {  	v19 =	vadd.f32 v2, v0;
	v6 =	vld.idx.msk [tilespmem:v6+s4+$0x0], $0xffff  }
0x12c: {  	s0 =	sshra.s32 s30, $0x2;
	v20 =	vadd.f32 v3, v0;
	v4 =	vld.idx.msk [tilespmem:v4+s4+$0x0], $0xffff;
	[tilespmem:s29+$0x1A8F0] =	vst v1  }
0x12d: {  	v1 =	vld [tilespmem:s0+$0x18800];
	[tilespmem:s29+$0x1A800] =	vst v17;
	v17 =	vadd.f32 v5, v0  }
0x12e: {  	v2 =	vld [tilespmem:s0+$0x18810];
	[tilespmem:s29+$0x1A810] =	vst v16;
	v16 =	vadd.f32 v7, v0  }
0x12f: {  	v21 =	vadd.f32 v12, v0;
	v3 =	vld [tilespmem:s0+$0x18820];
	[tilespmem:s29+$0x1A820] =	vst v8  }
0x130: {  	v22 =	vadd.f32 v13, v0;
	v5 =	vld [tilespmem:s0+$0x18830];
	[tilespmem:s29+$0x1A830] =	vst v9  }
0x131: {  	v23 =	vadd.f32 v6, v0;
	v7 =	vld [tilespmem:s0+$0x18840];
	[tilespmem:s29+$0x1A840] =	vst v10  }
0x132: {  	v24 =	vadd.f32 v4, v0;
	v14 =	vld [tilespmem:s0+$0x18850];
	[tilespmem:s29+$0x1A850] =	vst v11  }
0x133: {  	v15 =	vld [tilespmem:s0+$0x18860];
	[tilespmem:s29+$0x1A860] =	vst v18  }
0x134: {  	v8 =	vld [tilespmem:s0+$0x18870];
	[tilespmem:s29+$0x1A870] =	vst v19  }
0x135: {  	v9 =	vld [tilespmem:s0+$0x18880];
	[tilespmem:s29+$0x1A880] =	vst v20  }
0x136: {  	v10 =	vld [tilespmem:s0+$0x18890];
	[tilespmem:s29+$0x1A890] =	vst v17  }
.Ltmp8:
0x137: {  	v11 =	vld [tilespmem:s0+$0x188A0];
	[tilespmem:s29+$0x1A8A0] =	vst v16;
	(pc) =	sbr.rel @p0 .LBB2_11-.Ltmp8, $4  }
0x138: {  	v12 =	vld [tilespmem:s0+$0x188B0];
	[tilespmem:s29+$0x1A8B0] =	vst v21  }
0x139: {  	v13 =	vld [tilespmem:s0+$0x188C0];
	[tilespmem:s29+$0x1A8C0] =	vst v22  }
0x13a: {  	v6 =	vld [tilespmem:s0+$0x188D0];
	[tilespmem:s29+$0x1A8D0] =	vst v23  }
0x13b: {  	s30 =	sadd.s32 $0x400, s30;
	v4 =	vld [tilespmem:s0+$0x188E0];
	[tilespmem:s29+$0x1A8E0] =	vst v24;
	s29 =	smov.u32 s0  }
0x13c: {  	_ =	sdelay $0x2  }
0x13d: {  	v16 =	vld [tilespmem:s29+$0x188F0]  }
0x13e: {  	v1 =	vld.idx.msk [tilespmem:v1+s4+$0x0], $0xffff  }
0x13f: {  	v2 =	vld.idx.msk [tilespmem:v2+s4+$0x0], $0xffff  }
0x140: {  	v3 =	vld.idx.msk [tilespmem:v3+s4+$0x0], $0xffff  }
0x141: {  	v5 =	vld.idx.msk [tilespmem:v5+s4+$0x0], $0xffff  }
0x142: {  	v7 =	vld.idx.msk [tilespmem:v7+s4+$0x0], $0xffff  }
0x143: {  	v14 =	vld.idx.msk [tilespmem:v14+s4+$0x0], $0xffff  }
0x144: {  	v15 =	vld.idx.msk [tilespmem:v15+s4+$0x0], $0xffff  }
0x145: {  	v8 =	vld.idx.msk [tilespmem:v8+s4+$0x0], $0xffff  }
0x146: {  	v9 =	vld.idx.msk [tilespmem:v9+s4+$0x0], $0xffff  }
0x147: {  	v10 =	vld.idx.msk [tilespmem:v10+s4+$0x0], $0xffff  }
0x148: {  	v11 =	vld.idx.msk [tilespmem:v11+s4+$0x0], $0xffff  }
0x149: {  	v12 =	vld.idx.msk [tilespmem:v12+s4+$0x0], $0xffff  }
0x14a: {  	v13 =	vld.idx.msk [tilespmem:v13+s4+$0x0], $0xffff  }
0x14b: {  	v6 =	vld.idx.msk [tilespmem:v6+s4+$0x0], $0xffff;
	v1 =	vadd.f32 v1, v0  }
0x14c: {  	v4 =	vld.idx.msk [tilespmem:v4+s4+$0x0], $0xffff;
	v2 =	vadd.f32 v2, v0  }
0x14d: {  	v3 =	vadd.f32 v3, v0;
	v16 =	vld.idx.msk [tilespmem:v16+s4+$0x0], $0xffff;
	[tilespmem:s29+$0x1A800] =	vst v1  }
0x14e: {  	v1 =	vadd.f32 v5, v0;
	[tilespmem:s29+$0x1A810] =	vst v2  }
0x14f: {  	v2 =	vadd.f32 v7, v0;
	[tilespmem:s29+$0x1A820] =	vst v3  }
0x150: {  	v3 =	vadd.f32 v14, v0;
	[tilespmem:s29+$0x1A830] =	vst v1  }
0x151: {  	v1 =	vadd.f32 v15, v0;
	[tilespmem:s29+$0x1A840] =	vst v2  }
0x152: {  	v2 =	vadd.f32 v8, v0;
	[tilespmem:s29+$0x1A850] =	vst v3  }
0x153: {  	v3 =	vadd.f32 v9, v0;
	[tilespmem:s29+$0x1A860] =	vst v1  }
0x154: {  	v1 =	vadd.f32 v10, v0;
	[tilespmem:s29+$0x1A870] =	vst v2  }
0x155: {  	v2 =	vadd.f32 v11, v0;
	[tilespmem:s29+$0x1A880] =	vst v3  }
0x156: {  	v3 =	vadd.f32 v12, v0;
	[tilespmem:s29+$0x1A890] =	vst v1  }
0x157: {  	v16 =	vadd.f32 v16, v0;
	[tilespmem:s29+$0x1A8A0] =	vst v2  }
0x158: {  	v1 =	vadd.f32 v13, v0;
	[tilespmem:s29+$0x1A8B0] =	vst v3  }
0x159: {  	s0 =	sshll.u32 s26, $0x13;
	v2 =	vadd.f32 v6, v0;
	[tilespmem:s29+$0x1A8F0] =	vst v16  }
0x15a: {  	s0 =	sor.u32 s12, s0;
	v0 =	vadd.f32 v4, v0;
	[tilespmem:s29+$0x1A8C0] =	vst v1  }
0x15b: {  	s0 =	sshrl.u32 s0, $0x3;
	[tilespmem:s29+$0x1A8D0] =	vst v2  }
0x15c: {  	p0 =	sgt.u32 s26, $0x62;
	s0 =	sadd.s32 s2, s0;
	[tilespmem:s29+$0x1A8E0] =	vst v0  }
0x15d: {  	[hbm4b:s0+s13] =	stream.strided.scatter [tilespmem:s22], [sflag:$0x3], $0x1000, s14, s13, $0x38;
	[tilespmem:$0x1C800] =	vst v63  }
0x15e: {  	s0 =	sadd.s32 @!p0 $0x2, s28  }
0x15f: {  	s29 =	sshll.u32 @!p0 s0, $0x4  }
0x160: {  	s0 =	sshll.u32 @!p0 s0, $0x9;
	s29 =	sand.u32 @!p0 $0x60, s29  }
0x161: {  	s30 =	simm.s32 @!p0 $0x400;
	s0 =	sand.u32 @!p0 $0x3F000, s0;
	s29 =	sadd.s32 @!p0 s1, s29  }
0x162: {  	s31 =	simm.s32 @!p0 $0x18800;
	s0 =	sadd.s32 @!p0 s0, s29;
	s29 =	simm.s32 @!p0 $0x80  }
0x163: {  	[tilespmem:s31], [sflag:$0x1] =	stream.strided.gather @!p0 [hbm4b:s0+s29], $0x1000, s30, s29, $0x38;
	[tilespmem:$0x1C800] =	vst v63  }
0x164: {  	s29 =	sor.u32 $0x1, s28;
	_ =	swait.ge [sflag:s23], $0x1000  }
0x165: {  	v0 =	vmov s29;
	[sflag:s23] =	ssyncset.done $0x0  }
0x166: {  	s0 =	simm.s32 @!p1 $0x4;
	[sflag:s23] =	ssyncadd.s32 $0xFFFFF000  }
0x167: {  	_ =	swait.ge @!p1 [sflag:s0], $0x1000  }
0x168: {  	[sflag:s0] =	ssyncset.done @!p1 $0x0  }
0x169: {  	[sflag:s0] =	ssyncadd.s32 @!p1 $0xFFFFF000  }
0x16a: {  	s30 =	simm.s32 $0x0;
	v0 =	vld.idx.msk [tilespmem:v0+s16+$0x0], $0xffff  }
0x16b: {  	v1 =	vld [tilespmem:s30+$0x19800]  }
0x16c: {  	v2 =	vld [tilespmem:s30+$0x19810]  }
0x16d: {  	v3 =	vld [tilespmem:s30+$0x19820]  }
0x16e: {  	v5 =	vld [tilespmem:s30+$0x19830]  }
0x16f: {  	v7 =	vld [tilespmem:s30+$0x19840]  }
0x170: {  	v14 =	vld [tilespmem:s30+$0x19850]  }
0x171: {  	v15 =	vld [tilespmem:s30+$0x19860]  }
0x172: {  	v8 =	vld [tilespmem:s30+$0x19870]  }
0x173: {  	v9 =	vld [tilespmem:s30+$0x19880]  }
0x174: {  	v10 =	vld [tilespmem:s30+$0x19890]  }
0x175: {  	v11 =	vld [tilespmem:s30+$0x198A0]  }
0x176: {  	v12 =	vld [tilespmem:s30+$0x198B0]  }
0x177: {  	v13 =	vld [tilespmem:s30+$0x198C0]  }
0x178: {  	v6 =	vld [tilespmem:s30+$0x198D0]  }
0x179: {  	s31 =	simm.s32 $0x400;
	v4 =	vld [tilespmem:s30+$0x198E0]  }
.LBB2_13:
0x17a: {  	p1 =	sne.s32 s31, $0x3C00;
	v16 =	vld [tilespmem:s30+$0x198F0]  }
0x17b: {  	v1 =	vld.idx.msk [tilespmem:v1+s4+$0x0], $0xffff  }
0x17c: {  	v2 =	vld.idx.msk [tilespmem:v2+s4+$0x0], $0xffff  }
0x17d: {  	v3 =	vld.idx.msk [tilespmem:v3+s4+$0x0], $0xffff  }
0x17e: {  	v5 =	vld.idx.msk [tilespmem:v5+s4+$0x0], $0xffff  }
0x17f: {  	v7 =	vld.idx.msk [tilespmem:v7+s4+$0x0], $0xffff  }
0x180: {  	v14 =	vld.idx.msk [tilespmem:v14+s4+$0x0], $0xffff  }
0x181: {  	v17 =	vadd.f32 v1, v0;
	v15 =	vld.idx.msk [tilespmem:v15+s4+$0x0], $0xffff  }
0x182: {  	v1 =	vld.idx.msk [tilespmem:v16+s4+$0x0], $0xffff;
	v16 =	vadd.f32 v2, v0  }
0x183: {  	v2 =	vld.idx.msk [tilespmem:v8+s4+$0x0], $0xffff;
	v8 =	vadd.f32 v3, v0  }
0x184: {  	v3 =	vld.idx.msk [tilespmem:v9+s4+$0x0], $0xffff;
	v9 =	vadd.f32 v5, v0  }
0x185: {  	v5 =	vld.idx.msk [tilespmem:v10+s4+$0x0], $0xffff;
	v10 =	vadd.f32 v7, v0  }
0x186: {  	v7 =	vld.idx.msk [tilespmem:v11+s4+$0x0], $0xffff;
	v11 =	vadd.f32 v14, v0  }
0x187: {  	v18 =	vadd.f32 v15, v0;
	v12 =	vld.idx.msk [tilespmem:v12+s4+$0x0], $0xffff  }
0x188: {  	v1 =	vadd.f32 v1, v0;
	v13 =	vld.idx.msk [tilespmem:v13+s4+$0x0], $0xffff  }
0x189: {  	v19 =	vadd.f32 v2, v0;
	v6 =	vld.idx.msk [tilespmem:v6+s4+$0x0], $0xffff  }
0x18a: {  	s0 =	sshra.s32 s31, $0x2;
	v20 =	vadd.f32 v3, v0;
	v4 =	vld.idx.msk [tilespmem:v4+s4+$0x0], $0xffff;
	[tilespmem:s30+$0x1B8F0] =	vst v1  }
0x18b: {  	v1 =	vld [tilespmem:s0+$0x19800];
	[tilespmem:s30+$0x1B800] =	vst v17;
	v17 =	vadd.f32 v5, v0  }
0x18c: {  	v2 =	vld [tilespmem:s0+$0x19810];
	[tilespmem:s30+$0x1B810] =	vst v16;
	v16 =	vadd.f32 v7, v0  }
0x18d: {  	v21 =	vadd.f32 v12, v0;
	v3 =	vld [tilespmem:s0+$0x19820];
	[tilespmem:s30+$0x1B820] =	vst v8  }
0x18e: {  	v22 =	vadd.f32 v13, v0;
	v5 =	vld [tilespmem:s0+$0x19830];
	[tilespmem:s30+$0x1B830] =	vst v9  }
0x18f: {  	v23 =	vadd.f32 v6, v0;
	v7 =	vld [tilespmem:s0+$0x19840];
	[tilespmem:s30+$0x1B840] =	vst v10  }
0x190: {  	v24 =	vadd.f32 v4, v0;
	v14 =	vld [tilespmem:s0+$0x19850];
	[tilespmem:s30+$0x1B850] =	vst v11  }
0x191: {  	v15 =	vld [tilespmem:s0+$0x19860];
	[tilespmem:s30+$0x1B860] =	vst v18  }
0x192: {  	v8 =	vld [tilespmem:s0+$0x19870];
	[tilespmem:s30+$0x1B870] =	vst v19  }
0x193: {  	v9 =	vld [tilespmem:s0+$0x19880];
	[tilespmem:s30+$0x1B880] =	vst v20  }
0x194: {  	v10 =	vld [tilespmem:s0+$0x19890];
	[tilespmem:s30+$0x1B890] =	vst v17  }
.Ltmp9:
0x195: {  	v11 =	vld [tilespmem:s0+$0x198A0];
	[tilespmem:s30+$0x1B8A0] =	vst v16;
	(pc) =	sbr.rel @p1 .LBB2_13-.Ltmp9, $4  }
0x196: {  	v12 =	vld [tilespmem:s0+$0x198B0];
	[tilespmem:s30+$0x1B8B0] =	vst v21  }
0x197: {  	v13 =	vld [tilespmem:s0+$0x198C0];
	[tilespmem:s30+$0x1B8C0] =	vst v22  }
0x198: {  	v6 =	vld [tilespmem:s0+$0x198D0];
	[tilespmem:s30+$0x1B8D0] =	vst v23  }
0x199: {  	s31 =	sadd.s32 $0x400, s31;
	v4 =	vld [tilespmem:s0+$0x198E0];
	[tilespmem:s30+$0x1B8E0] =	vst v24;
	s30 =	smov.u32 s0  }
0x19a: {  	_ =	sdelay $0x2  }
0x19b: {  	v16 =	vld [tilespmem:s30+$0x198F0]  }
0x19c: {  	v1 =	vld.idx.msk [tilespmem:v1+s4+$0x0], $0xffff  }
0x19d: {  	v2 =	vld.idx.msk [tilespmem:v2+s4+$0x0], $0xffff  }
0x19e: {  	v3 =	vld.idx.msk [tilespmem:v3+s4+$0x0], $0xffff  }
0x19f: {  	v5 =	vld.idx.msk [tilespmem:v5+s4+$0x0], $0xffff  }
0x1a0: {  	v7 =	vld.idx.msk [tilespmem:v7+s4+$0x0], $0xffff  }
0x1a1: {  	v14 =	vld.idx.msk [tilespmem:v14+s4+$0x0], $0xffff  }
0x1a2: {  	v15 =	vld.idx.msk [tilespmem:v15+s4+$0x0], $0xffff  }
0x1a3: {  	v8 =	vld.idx.msk [tilespmem:v8+s4+$0x0], $0xffff  }
0x1a4: {  	v9 =	vld.idx.msk [tilespmem:v9+s4+$0x0], $0xffff  }
0x1a5: {  	v10 =	vld.idx.msk [tilespmem:v10+s4+$0x0], $0xffff  }
0x1a6: {  	v11 =	vld.idx.msk [tilespmem:v11+s4+$0x0], $0xffff  }
0x1a7: {  	v12 =	vld.idx.msk [tilespmem:v12+s4+$0x0], $0xffff  }
0x1a8: {  	v13 =	vld.idx.msk [tilespmem:v13+s4+$0x0], $0xffff  }
0x1a9: {  	v6 =	vld.idx.msk [tilespmem:v6+s4+$0x0], $0xffff;
	v1 =	vadd.f32 v1, v0  }
0x1aa: {  	v4 =	vld.idx.msk [tilespmem:v4+s4+$0x0], $0xffff;
	v2 =	vadd.f32 v2, v0  }
0x1ab: {  	v3 =	vadd.f32 v3, v0;
	v16 =	vld.idx.msk [tilespmem:v16+s4+$0x0], $0xffff;
	[tilespmem:s30+$0x1B800] =	vst v1  }
0x1ac: {  	v52 =	vadd.f32 v5, v0;
	[tilespmem:s30+$0x1B810] =	vst v2  }
0x1ad: {  	v53 =	vadd.f32 v7, v0;
	[tilespmem:s30+$0x1B820] =	vst v3  }
0x1ae: {  	v54 =	vadd.f32 v14, v0;
	[tilespmem:s30+$0x1B830] =	vst v52  }
0x1af: {  	v55 =	vadd.f32 v15, v0;
	[tilespmem:s30+$0x1B840] =	vst v53  }
0x1b0: {  	v56 =	vadd.f32 v8, v0;
	[tilespmem:s30+$0x1B850] =	vst v54  }
0x1b1: {  	v57 =	vadd.f32 v9, v0;
	[tilespmem:s30+$0x1B860] =	vst v55  }
0x1b2: {  	v58 =	vadd.f32 v10, v0;
	[tilespmem:s30+$0x1B870] =	vst v56  }
0x1b3: {  	v59 =	vadd.f32 v11, v0;
	[tilespmem:s30+$0x1B880] =	vst v57  }
0x1b4: {  	v60 =	vadd.f32 v12, v0;
	[tilespmem:s30+$0x1B890] =	vst v58  }
0x1b5: {  	v61 =	vadd.f32 v13, v0;
	[tilespmem:s30+$0x1B8A0] =	vst v59  }
0x1b6: {  	v62 =	vadd.f32 v6, v0;
	[tilespmem:s30+$0x1B8B0] =	vst v60  }
0x1b7: {  	s0 =	sshll.u32 s29, $0x12;
	v63 =	vadd.f32 v4, v0;
	[tilespmem:s30+$0x1B8C0] =	vst v61  }
0x1b8: {  	s0 =	sor.u32 s12, s0;
	[tilespmem:s30+$0x1B8D0] =	vst v62;
	v16 =	vadd.f32 v16, v0  }
0x1b9: {  	s0 =	sshrl.u32 s0, $0x3;
	[tilespmem:s30+$0x1B8E0] =	vst v63  }
0x1ba: {  	s0 =	sadd.s32 s2, s0;
	[tilespmem:s30+$0x1B8F0] =	vst v16  }
0x1bb: {  	[hbm4b:s0+s13] =	stream.strided.scatter [tilespmem:s24], [sflag:$0x4], $0x1000, s14, s13, $0x38;
	[tilespmem:$0x1C800] =	vst v63  }
0x1bc: {  	s0 =	sadd.s32 @!p0 $0x3, s28  }
0x1bd: {  	s28 =	sshll.u32 @!p0 s0, $0x4  }
0x1be: {  	s29 =	simm.s32 @!p0 $0x400;
	s0 =	sshll.u32 @!p0 s0, $0x9;
	s28 =	sand.u32 @!p0 $0x70, s28  }
0x1bf: {  	s26 =	sadd.s32 $0x1, s26;
	s0 =	sand.u32 @!p0 $0x3F000, s0;
	s28 =	sadd.s32 @!p0 s1, s28  }
0x1c0: {  	s30 =	simm.s32 @!p0 $0x19800;
	s0 =	sadd.s32 @!p0 s0, s28;
	s28 =	simm.s32 @!p0 $0x80  }
0x1c1: {  	[tilespmem:s30], [sflag:$0x2] =	stream.strided.gather @!p0 [hbm4b:s0+s28], $0x1000, s29, s28, $0x38;
	[tilespmem:$0x1C800] =	vst v63  }
0x1c2: {  	p0 =	sne.s32 s26, $0x65  }
.Ltmp10:
0x1c3: {  	_ = 	snop;
	(pc) =	sbr.rel @p0 .LBB2_9-.Ltmp10, $4  }
.Ltmp11:
0x1c4: {  	_ = 	snop;
	(pc) =	sbr.rel @!p0 .LBB2_15-.Ltmp11, $4  }
0x1c5: {  	_ = 	snop  }
0x1c6: {  	_ = 	snop  }
0x1c7: {  	_ = 	snop  }
0x1c8: {  	_ = 	snop  }
.LBB2_16:
0x1c9: {  	_ =	sfence.sel $0x180000  }
0x1ca: {  	[bflag:$0x0] =	sbarrier.arrive $0xFFFF  }
0x1cb: {  	_ =	strace $0x90000047  }
0x1cc: {  	[bflag:$0x2] =	sbarrier.arrive $0xFFFF  }
0x1cd: {  	p0 =	sne.s32 s3, $0x0;
	s0 =	rddreg [dreg:$0x4]  }
0x1ce: {  	s0 =	sadd.s32 @!p0 $0x100000, s0  }
0x1cf: {  	[sflag:s0] =	ssyncadd.tile.s32 @!p0 $0x1;
	_ =	shalt  }
.Lfunc_end2:
_tile_overlayer_lowered:
.L_overlay_start_2:
0x1d0: {  	(tag) =	ssettag $0x2  }
0x1d1: {  	s0 =	rddreg [dreg:$0x0];
	s2 =	stileid.u32  }
0x1d2: {  	s1 =	rddreg [dreg:$0x1];
	p0 =	sne.s32 s2, $0x0  }
0x1d3: {  	s3 =	rddreg [dreg:$0x2];
	[bflag:$0x3] =	sbarrier.arrive $0xFFFF;
	s2 =	simm.s32 @!p0 $0x1C05  }
0x1d4: {  	[timem:s3], [sflag:s2] =	dma.local @!p0 [hbm:s0], s1  }
0x1d5: {  	s0 =	simm.s32 @!p0 $0x5  }
0x1d6: {  	_ =	swait.ge @!p0 [sflag:s0], s1  }
0x1d7: {  	s1 =	ssub.s32 @!p0 $0x0, s1;
	[sflag:s0] =	ssyncset.done @!p0 $0x0  }
0x1d8: {  	[sflag:s0] =	ssyncadd.s32 @!p0 s1  }
0x1d9: {  	[bflag:$0x3] =	sbarrier.arrive $0xFFFF  }
0x1da: {  	_ =	shalt  }

</sc_bundles>
